<compile_context>
chip_gen: v7x
topology: tpu7x:2x2x1
jax: 0.10.2.dev20260603
libtpu: 0.0.44.dev20260713+nightly
codegen_flags: <defaults>
</compile_context>

<pallas_src>
import functools
import math

import jax
import jax.numpy as jnp
from jax import lax
from jax.experimental import pallas as pl
from jax.experimental.pallas import tpu as pltpu
from jax.experimental.pallas import tpu_sc as plsc

B = 16384
D = 128
L = 16
NC = 2
NS = 16
NW = NC * NS
BPW = B // NW
CHUNK = 64
NCHUNK = BPW // CHUNK
VPR = D // L


def _make_sc_fn():
  mesh = plsc.VectorSubcoreMesh(core_axis_name="c", subcore_axis_name="s")

  @functools.partial(
      pl.kernel,
      mesh=mesh,
      out_type=jax.ShapeDtypeStruct((NW, L), jnp.float32),
      scratch_types=[
          pltpu.VMEM((BPW,), jnp.int32),
          pltpu.VMEM((BPW, D), jnp.float32),
          pltpu.VMEM((CHUNK, D), jnp.float32),
          pltpu.VMEM((CHUNK, D), jnp.float32),
          pltpu.VMEM((CHUNK, D), jnp.float32),
          pltpu.VMEM((CHUNK, D), jnp.float32),
          pltpu.VMEM((L,), jnp.float32),
          pltpu.SemaphoreType.DMA,
          pltpu.SemaphoreType.DMA,
      ],
  )
  def sc_fn(z_hbm, lab_hbm, means_hbm, out_hbm,
            idx_v, z_all, rows_v0, rows_v1, rows_v2, rows_v3, part_v,
            gsem, zsem):
    wid = lax.axis_index("s") * NC + lax.axis_index("c")
    base = wid * BPW

    row_bufs = (rows_v0, rows_v1, rows_v2, rows_v3)
    NBUF = len(row_bufs)
    gcp = [None] * NCHUNK
    zcp = [None] * NCHUNK
    for c in range(NCHUNK):
      zcp[c] = pltpu.async_copy(
          z_hbm.at[pl.ds(base + c * CHUNK, CHUNK)],
          z_all.at[pl.ds(c * CHUNK, CHUNK)], zsem)
    pltpu.sync_copy(lab_hbm.at[pl.ds(base, BPW)], idx_v)
    for c in range(min(NBUF, NCHUNK)):
      gcp[c] = pltpu.async_copy(
          means_hbm.at[idx_v.at[pl.ds(c * CHUNK, CHUNK)]],
          row_bufs[c], gsem)

    zero = jnp.zeros((L,), jnp.float32)
    accs = (zero,) * VPR
    for c in range(NCHUNK):
      gcp[c].wait()
      zcp[c].wait()
      rows_v = row_bufs[c % NBUF]
      zoff = c * CHUNK

      def row_body(r, a, zoff=zoff, rows_v=rows_v):
        new = []
        for v in range(VPR):
          diff = z_all[zoff + r, pl.ds(v * L, L)] - rows_v[r, pl.ds(v * L, L)]
          new.append(a[v] + diff * diff)
        return tuple(new)

      accs = lax.fori_loop(0, CHUNK, row_body, accs)
      if c + NBUF < NCHUNK:
        gcp[c + NBUF] = pltpu.async_copy(
            means_hbm.at[idx_v.at[pl.ds((c + NBUF) * CHUNK, CHUNK)]],
            row_bufs[c % NBUF], gsem)
    sq = accs[0]
    for v in range(1, VPR):
      sq = sq + accs[v]

    part_v[...] = 0.5 * sq
    pltpu.sync_copy(part_v, out_hbm.at[wid])

  return sc_fn


_sc_fn = _make_sc_fn()


def kernel(z, sldj, labels, means):
  parts = _sc_fn(z, labels, means)
  const = 0.5 * D * math.log(2.0 * math.pi)
  return (parts.sum() - sldj.sum()) / B + const

# --- scband reference (transcript-rebuilt; emitter-appended) ---
"""Pipeline reference for scband-gaussian-mixture-prior-25262997635226 (READ-ONLY COPY).

The authoritative reference and input builder live on the scoring server;
editing this copy changes nothing except your own understanding.
"""

import jax, jax.numpy as jnp
import numpy as np

B = 16384
TOTAL_DIM = 128
NUM_CLASSES = 100000
SCALE = 1.0

def setup_inputs(seed: int = 0) -> dict:
    key = jax.random.key(seed)
    k1, k2, k3, k4 = jax.random.split(key, 4)
    z = jax.random.normal(k1, (B, TOTAL_DIM), dtype=jnp.float32)
    sldj = jax.random.normal(k2, (B,), dtype=jnp.float32)
    labels = jax.random.randint(k3, (B,), 0, NUM_CLASSES, dtype=jnp.int64)
    means = jax.random.normal(k4, (NUM_CLASSES, TOTAL_DIM), dtype=jnp.float32) * SCALE
    return {"z": z, "sldj": sldj, "labels": labels, "means": means}

def reference(z, sldj, labels, means):
    # Faithful translation of GaussianMixturePrior.get_loss
    z_flat = z.reshape(z.shape[0], -1)
    gathered = jnp.take(means, labels, axis=0)  # means[y] -> embedding-style gather
    nll = 0.5 * ((z_flat - gathered) ** 2).sum(axis=1) + 0.5 * z_flat.shape[1] * np.log(2 * np.pi)
    loss = (nll - sldj).mean()
    return loss

if __name__ == "__main__":
    import jax
    _d = setup_inputs()
    print(jax.jit(kernel)(*tuple(_d.values())))

</pallas_src>

<mosaic_0001>
#map = affine_map<(d0, d1) -> (0, 0)>
#map1 = affine_map<(d0, d1) -> (0)>
module attributes {stable_mosaic.version = 14 : i64} {
  func.func @sc_fn(%arg0: i32, %arg1: i32, %arg2: memref<16384x128xf32, #tpu.memory_space<hbm>>, %arg3: memref<16384xi32, #tpu.memory_space<hbm>>, %arg4: memref<100000x128xf32, #tpu.memory_space<hbm>>, %arg5: memref<32x16xf32, #tpu.memory_space<hbm>>, %arg6: memref<512xi32, #tpu.memory_space<vmem>>, %arg7: memref<512x128xf32, #tpu.memory_space<vmem>>, %arg8: memref<64x128xf32, #tpu.memory_space<vmem>>, %arg9: memref<64x128xf32, #tpu.memory_space<vmem>>, %arg10: memref<64x128xf32, #tpu.memory_space<vmem>>, %arg11: memref<64x128xf32, #tpu.memory_space<vmem>>, %arg12: memref<16xf32, #tpu.memory_space<vmem>>, %arg13: memref<!tpu.dma_semaphore, #tpu.memory_space<semaphore_mem>>, %arg14: memref<!tpu.dma_semaphore, #tpu.memory_space<semaphore_mem>>) attributes {dimension_semantics = [#tpu.dimension_semantics<core_parallel>, #tpu.dimension_semantics<subcore_parallel>], iteration_bounds = array<i64: 2, 16>, scalar_prefetch = 0 : i64, scratch_operands = 9 : i64, tpu.core_type = #tpu.core_type<sc_vector_subcore>, window_params = [{transform_indices = #map}, {transform_indices = #map1}, {transform_indices = #map}, {transform_indices = #map}]} {
    %mul3A = arith.constant 2 : i32
    %mul3A_0 = arith.muli %arg1, %mul3A : i32
    %add3A = arith.addi %mul3A_0, %arg0 : i32
    %mul3A_1 = arith.constant 512 : i32
    %mul3A_2 = arith.muli %add3A, %mul3A_1 : i32
    %add3A_3 = arith.constant 0 : i32
    %add3A_4 = arith.addi %mul3A_2, %add3A_3 : i32
    %dma_start3A = arith.constant 0 : i32
    %dma_start3A_5 = arith.constant 0 : i32
    %dma_start3A_6 = tpu.memref_slice %arg7[%dma_start3A, %dma_start3A_5] : memref<512x128xf32, #tpu.memory_space<vmem>> -> memref<64x128xf32, #tpu.memory_space<vmem>>
    %dma_start3A_7 = arith.constant 0 : i32
    %dma_start3A_8 = tpu.memref_slice %arg2[%add3A_4, %dma_start3A_7] : memref<16384x128xf32, #tpu.memory_space<hbm>> -> memref<64x128xf32, #tpu.memory_space<hbm>>
    %dma_start3A_9 = arith.constant 0 : i32
    %dma_start3A_10 = arith.constant 0 : i32
    %dma_start3A_11 = tpu.memref_slice %arg7[%dma_start3A_9, %dma_start3A_10] : memref<512x128xf32, #tpu.memory_space<vmem>> -> memref<64x128xf32, #tpu.memory_space<vmem>>
    %dma_start3A_12 = arith.constant 0 : i32
    %dma_start3A_13 = tpu.memref_slice %arg2[%add3A_4, %dma_start3A_12] : memref<16384x128xf32, #tpu.memory_space<hbm>> -> memref<64x128xf32, #tpu.memory_space<hbm>>
    tpu.enqueue_dma source(%dma_start3A_13 : memref<64x128xf32, #tpu.memory_space<hbm>>) target(%dma_start3A_11 : memref<64x128xf32, #tpu.memory_space<vmem>>) target_semaphore(%arg14 : memref<!tpu.dma_semaphore, #tpu.memory_space<semaphore_mem>>)
    %add3A_14 = arith.constant 64 : i32
    %add3A_15 = arith.addi %mul3A_2, %add3A_14 : i32
    %dma_start3A_16 = arith.constant 64 : i32
    %dma_start3A_17 = arith.constant 0 : i32
    %dma_start3A_18 = tpu.memref_slice %arg7[%dma_start3A_16, %dma_start3A_17] : memref<512x128xf32, #tpu.memory_space<vmem>> -> memref<64x128xf32, #tpu.memory_space<vmem>>
    %dma_start3A_19 = arith.constant 0 : i32
    %dma_start3A_20 = tpu.memref_slice %arg2[%add3A_15, %dma_start3A_19] : memref<16384x128xf32, #tpu.memory_space<hbm>> -> memref<64x128xf32, #tpu.memory_space<hbm>>
    %dma_start3A_21 = arith.constant 64 : i32
    %dma_start3A_22 = arith.constant 0 : i32
    %dma_start3A_23 = tpu.memref_slice %arg7[%dma_start3A_21, %dma_start3A_22] : memref<512x128xf32, #tpu.memory_space<vmem>> -> memref<64x128xf32, #tpu.memory_space<vmem>>
    %dma_start3A_24 = arith.constant 0 : i32
    %dma_start3A_25 = tpu.memref_slice %arg2[%add3A_15, %dma_start3A_24] : memref<16384x128xf32, #tpu.memory_space<hbm>> -> memref<64x128xf32, #tpu.memory_space<hbm>>
    tpu.enqueue_dma source(%dma_start3A_25 : memref<64x128xf32, #tpu.memory_space<hbm>>) target(%dma_start3A_23 : memref<64x128xf32, #tpu.memory_space<vmem>>) target_semaphore(%arg14 : memref<!tpu.dma_semaphore, #tpu.memory_space<semaphore_mem>>)
    %add3A_26 = arith.constant 128 : i32
    %add3A_27 = arith.addi %mul3A_2, %add3A_26 : i32
    %dma_start3A_28 = arith.constant 128 : i32
    %dma_start3A_29 = arith.constant 0 : i32
    %dma_start3A_30 = tpu.memref_slice %arg7[%dma_start3A_28, %dma_start3A_29] : memref<512x128xf32, #tpu.memory_space<vmem>> -> memref<64x128xf32, #tpu.memory_space<vmem>>
    %dma_start3A_31 = arith.constant 0 : i32
    %dma_start3A_32 = tpu.memref_slice %arg2[%add3A_27, %dma_start3A_31] : memref<16384x128xf32, #tpu.memory_space<hbm>> -> memref<64x128xf32, #tpu.memory_space<hbm>>
    %dma_start3A_33 = arith.constant 128 : i32
    %dma_start3A_34 = arith.constant 0 : i32
    %dma_start3A_35 = tpu.memref_slice %arg7[%dma_start3A_33, %dma_start3A_34] : memref<512x128xf32, #tpu.memory_space<vmem>> -> memref<64x128xf32, #tpu.memory_space<vmem>>
    %dma_start3A_36 = arith.constant 0 : i32
    %dma_start3A_37 = tpu.memref_slice %arg2[%add3A_27, %dma_start3A_36] : memref<16384x128xf32, #tpu.memory_space<hbm>> -> memref<64x128xf32, #tpu.memory_space<hbm>>
    tpu.enqueue_dma source(%dma_start3A_37 : memref<64x128xf32, #tpu.memory_space<hbm>>) target(%dma_start3A_35 : memref<64x128xf32, #tpu.memory_space<vmem>>) target_semaphore(%arg14 : memref<!tpu.dma_semaphore, #tpu.memory_space<semaphore_mem>>)
    %add3A_38 = arith.constant 192 : i32
    %add3A_39 = arith.addi %mul3A_2, %add3A_38 : i32
    %dma_start3A_40 = arith.constant 192 : i32
    %dma_start3A_41 = arith.constant 0 : i32
    %dma_start3A_42 = tpu.memref_slice %arg7[%dma_start3A_40, %dma_start3A_41] : memref<512x128xf32, #tpu.memory_space<vmem>> -> memref<64x128xf32, #tpu.memory_space<vmem>>
    %dma_start3A_43 = arith.constant 0 : i32
    %dma_start3A_44 = tpu.memref_slice %arg2[%add3A_39, %dma_start3A_43] : memref<16384x128xf32, #tpu.memory_space<hbm>> -> memref<64x128xf32, #tpu.memory_space<hbm>>
    %dma_start3A_45 = arith.constant 192 : i32
    %dma_start3A_46 = arith.constant 0 : i32
    %dma_start3A_47 = tpu.memref_slice %arg7[%dma_start3A_45, %dma_start3A_46] : memref<512x128xf32, #tpu.memory_space<vmem>> -> memref<64x128xf32, #tpu.memory_space<vmem>>
    %dma_start3A_48 = arith.constant 0 : i32
    %dma_start3A_49 = tpu.memref_slice %arg2[%add3A_39, %dma_start3A_48] : memref<16384x128xf32, #tpu.memory_space<hbm>> -> memref<64x128xf32, #tpu.memory_space<hbm>>
    tpu.enqueue_dma source(%dma_start3A_49 : memref<64x128xf32, #tpu.memory_space<hbm>>) target(%dma_start3A_47 : memref<64x128xf32, #tpu.memory_space<vmem>>) target_semaphore(%arg14 : memref<!tpu.dma_semaphore, #tpu.memory_space<semaphore_mem>>)
    %add3A_50 = arith.constant 256 : i32
    %add3A_51 = arith.addi %mul3A_2, %add3A_50 : i32
    %dma_start3A_52 = arith.constant 256 : i32
    %dma_start3A_53 = arith.constant 0 : i32
    %dma_start3A_54 = tpu.memref_slice %arg7[%dma_start3A_52, %dma_start3A_53] : memref<512x128xf32, #tpu.memory_space<vmem>> -> memref<64x128xf32, #tpu.memory_space<vmem>>
    %dma_start3A_55 = arith.constant 0 : i32
    %dma_start3A_56 = tpu.memref_slice %arg2[%add3A_51, %dma_start3A_55] : memref<16384x128xf32, #tpu.memory_space<hbm>> -> memref<64x128xf32, #tpu.memory_space<hbm>>
    %dma_start3A_57 = arith.constant 256 : i32
    %dma_start3A_58 = arith.constant 0 : i32
    %dma_start3A_59 = tpu.memref_slice %arg7[%dma_start3A_57, %dma_start3A_58] : memref<512x128xf32, #tpu.memory_space<vmem>> -> memref<64x128xf32, #tpu.memory_space<vmem>>
    %dma_start3A_60 = arith.constant 0 : i32
    %dma_start3A_61 = tpu.memref_slice %arg2[%add3A_51, %dma_start3A_60] : memref<16384x128xf32, #tpu.memory_space<hbm>> -> memref<64x128xf32, #tpu.memory_space<hbm>>
    tpu.enqueue_dma source(%dma_start3A_61 : memref<64x128xf32, #tpu.memory_space<hbm>>) target(%dma_start3A_59 : memref<64x128xf32, #tpu.memory_space<vmem>>) target_semaphore(%arg14 : memref<!tpu.dma_semaphore, #tpu.memory_space<semaphore_mem>>)
    %add3A_62 = arith.constant 320 : i32
    %add3A_63 = arith.addi %mul3A_2, %add3A_62 : i32
    %dma_start3A_64 = arith.constant 320 : i32
    %dma_start3A_65 = arith.constant 0 : i32
    %dma_start3A_66 = tpu.memref_slice %arg7[%dma_start3A_64, %dma_start3A_65] : memref<512x128xf32, #tpu.memory_space<vmem>> -> memref<64x128xf32, #tpu.memory_space<vmem>>
    %dma_start3A_67 = arith.constant 0 : i32
    %dma_start3A_68 = tpu.memref_slice %arg2[%add3A_63, %dma_start3A_67] : memref<16384x128xf32, #tpu.memory_space<hbm>> -> memref<64x128xf32, #tpu.memory_space<hbm>>
    %dma_start3A_69 = arith.constant 320 : i32
    %dma_start3A_70 = arith.constant 0 : i32
    %dma_start3A_71 = tpu.memref_slice %arg7[%dma_start3A_69, %dma_start3A_70] : memref<512x128xf32, #tpu.memory_space<vmem>> -> memref<64x128xf32, #tpu.memory_space<vmem>>
    %dma_start3A_72 = arith.constant 0 : i32
    %dma_start3A_73 = tpu.memref_slice %arg2[%add3A_63, %dma_start3A_72] : memref<16384x128xf32, #tpu.memory_space<hbm>> -> memref<64x128xf32, #tpu.memory_space<hbm>>
    tpu.enqueue_dma source(%dma_start3A_73 : memref<64x128xf32, #tpu.memory_space<hbm>>) target(%dma_start3A_71 : memref<64x128xf32, #tpu.memory_space<vmem>>) target_semaphore(%arg14 : memref<!tpu.dma_semaphore, #tpu.memory_space<semaphore_mem>>)
    %add3A_74 = arith.constant 384 : i32
    %add3A_75 = arith.addi %mul3A_2, %add3A_74 : i32
    %dma_start3A_76 = arith.constant 384 : i32
    %dma_start3A_77 = arith.constant 0 : i32
    %dma_start3A_78 = tpu.memref_slice %arg7[%dma_start3A_76, %dma_start3A_77] : memref<512x128xf32, #tpu.memory_space<vmem>> -> memref<64x128xf32, #tpu.memory_space<vmem>>
    %dma_start3A_79 = arith.constant 0 : i32
    %dma_start3A_80 = tpu.memref_slice %arg2[%add3A_75, %dma_start3A_79] : memref<16384x128xf32, #tpu.memory_space<hbm>> -> memref<64x128xf32, #tpu.memory_space<hbm>>
    %dma_start3A_81 = arith.constant 384 : i32
    %dma_start3A_82 = arith.constant 0 : i32
    %dma_start3A_83 = tpu.memref_slice %arg7[%dma_start3A_81, %dma_start3A_82] : memref<512x128xf32, #tpu.memory_space<vmem>> -> memref<64x128xf32, #tpu.memory_space<vmem>>
    %dma_start3A_84 = arith.constant 0 : i32
    %dma_start3A_85 = tpu.memref_slice %arg2[%add3A_75, %dma_start3A_84] : memref<16384x128xf32, #tpu.memory_space<hbm>> -> memref<64x128xf32, #tpu.memory_space<hbm>>
    tpu.enqueue_dma source(%dma_start3A_85 : memref<64x128xf32, #tpu.memory_space<hbm>>) target(%dma_start3A_83 : memref<64x128xf32, #tpu.memory_space<vmem>>) target_semaphore(%arg14 : memref<!tpu.dma_semaphore, #tpu.memory_space<semaphore_mem>>)
    %add3A_86 = arith.constant 448 : i32
    %add3A_87 = arith.addi %mul3A_2, %add3A_86 : i32
    %dma_start3A_88 = arith.constant 448 : i32
    %dma_start3A_89 = arith.constant 0 : i32
    %dma_start3A_90 = tpu.memref_slice %arg7[%dma_start3A_88, %dma_start3A_89] : memref<512x128xf32, #tpu.memory_space<vmem>> -> memref<64x128xf32, #tpu.memory_space<vmem>>
    %dma_start3A_91 = arith.constant 0 : i32
    %dma_start3A_92 = tpu.memref_slice %arg2[%add3A_87, %dma_start3A_91] : memref<16384x128xf32, #tpu.memory_space<hbm>> -> memref<64x128xf32, #tpu.memory_space<hbm>>
    %dma_start3A_93 = arith.constant 448 : i32
    %dma_start3A_94 = arith.constant 0 : i32
    %dma_start3A_95 = tpu.memref_slice %arg7[%dma_start3A_93, %dma_start3A_94] : memref<512x128xf32, #tpu.memory_space<vmem>> -> memref<64x128xf32, #tpu.memory_space<vmem>>
    %dma_start3A_96 = arith.constant 0 : i32
    %dma_start3A_97 = tpu.memref_slice %arg2[%add3A_87, %dma_start3A_96] : memref<16384x128xf32, #tpu.memory_space<hbm>> -> memref<64x128xf32, #tpu.memory_space<hbm>>
    tpu.enqueue_dma source(%dma_start3A_97 : memref<64x128xf32, #tpu.memory_space<hbm>>) target(%dma_start3A_95 : memref<64x128xf32, #tpu.memory_space<vmem>>) target_semaphore(%arg14 : memref<!tpu.dma_semaphore, #tpu.memory_space<semaphore_mem>>)
    "tpu.region"() ({
      %run_scoped3A = tpu.sem_alloc : memref<!tpu.dma_semaphore, #tpu.memory_space<semaphore_mem>>
      %dma_start3A_318 = tpu.memref_slice %arg3[%mul3A_2] : memref<16384xi32, #tpu.memory_space<hbm>> -> memref<512xi32, #tpu.memory_space<hbm>>
      %dma_start3A_319 = tpu.memref_slice %arg3[%mul3A_2] : memref<16384xi32, #tpu.memory_space<hbm>> -> memref<512xi32, #tpu.memory_space<hbm>>
      tpu.enqueue_dma source(%dma_start3A_319 : memref<512xi32, #tpu.memory_space<hbm>>) target(%arg6 : memref<512xi32, #tpu.memory_space<vmem>>) target_semaphore(%run_scoped3A : memref<!tpu.dma_semaphore, #tpu.memory_space<semaphore_mem>>)
      %dma_wait3A_320 = tpu.memref_slice %arg3[%mul3A_2] : memref<16384xi32, #tpu.memory_space<hbm>> -> memref<512xi32, #tpu.memory_space<hbm>>
      %dma_wait3A_321 = tpu.memref_slice %arg3[%mul3A_2] : memref<16384xi32, #tpu.memory_space<hbm>> -> memref<512xi32, #tpu.memory_space<hbm>>
      tpu.wait_dma2 semaphore(%run_scoped3A : memref<!tpu.dma_semaphore, #tpu.memory_space<semaphore_mem>>) src(%dma_wait3A_321 : memref<512xi32, #tpu.memory_space<hbm>>) dst(%arg6 : memref<512xi32, #tpu.memory_space<vmem>>)
      tpu.yield
    }) : () -> ()
    %dma_start3A_98 = arith.constant 0 : i32
    %dma_start3A_99 = tpu.memref_slice %arg6[%dma_start3A_98] : memref<512xi32, #tpu.memory_space<vmem>> -> memref<64xi32, #tpu.memory_space<vmem>>
    %dma_start3A_100 = arith.constant 0 : i32
    %dma_start3A_101 = arith.constant 0 : i32
    %dma_start3A_102 = tpu.memref_slice %arg4[%dma_start3A_100, %dma_start3A_101] : memref<100000x128xf32, #tpu.memory_space<hbm>> -> memref<100000x128xf32, #tpu.memory_space<hbm>>
    tpu.enqueue_indirect_dma source(%dma_start3A_102 : memref<100000x128xf32, #tpu.memory_space<hbm>>) target(%arg8 : memref<64x128xf32, #tpu.memory_space<vmem>>) offsets(%dma_start3A_99 : memref<64xi32, #tpu.memory_space<vmem>>) semaphore(%arg13 : memref<!tpu.dma_semaphore, #tpu.memory_space<semaphore_mem>>)
    %dma_start3A_103 = arith.constant 64 : i32
    %dma_start3A_104 = tpu.memref_slice %arg6[%dma_start3A_103] : memref<512xi32, #tpu.memory_space<vmem>> -> memref<64xi32, #tpu.memory_space<vmem>>
    %dma_start3A_105 = arith.constant 0 : i32
    %dma_start3A_106 = arith.constant 0 : i32
    %dma_start3A_107 = tpu.memref_slice %arg4[%dma_start3A_105, %dma_start3A_106] : memref<100000x128xf32, #tpu.memory_space<hbm>> -> memref<100000x128xf32, #tpu.memory_space<hbm>>
    tpu.enqueue_indirect_dma source(%dma_start3A_107 : memref<100000x128xf32, #tpu.memory_space<hbm>>) target(%arg9 : memref<64x128xf32, #tpu.memory_space<vmem>>) offsets(%dma_start3A_104 : memref<64xi32, #tpu.memory_space<vmem>>) semaphore(%arg13 : memref<!tpu.dma_semaphore, #tpu.memory_space<semaphore_mem>>)
    %dma_start3A_108 = arith.constant 128 : i32
    %dma_start3A_109 = tpu.memref_slice %arg6[%dma_start3A_108] : memref<512xi32, #tpu.memory_space<vmem>> -> memref<64xi32, #tpu.memory_space<vmem>>
    %dma_start3A_110 = arith.constant 0 : i32
    %dma_start3A_111 = arith.constant 0 : i32
    %dma_start3A_112 = tpu.memref_slice %arg4[%dma_start3A_110, %dma_start3A_111] : memref<100000x128xf32, #tpu.memory_space<hbm>> -> memref<100000x128xf32, #tpu.memory_space<hbm>>
    tpu.enqueue_indirect_dma source(%dma_start3A_112 : memref<100000x128xf32, #tpu.memory_space<hbm>>) target(%arg10 : memref<64x128xf32, #tpu.memory_space<vmem>>) offsets(%dma_start3A_109 : memref<64xi32, #tpu.memory_space<vmem>>) semaphore(%arg13 : memref<!tpu.dma_semaphore, #tpu.memory_space<semaphore_mem>>)
    %dma_start3A_113 = arith.constant 192 : i32
    %dma_start3A_114 = tpu.memref_slice %arg6[%dma_start3A_113] : memref<512xi32, #tpu.memory_space<vmem>> -> memref<64xi32, #tpu.memory_space<vmem>>
    %dma_start3A_115 = arith.constant 0 : i32
    %dma_start3A_116 = arith.constant 0 : i32
    %dma_start3A_117 = tpu.memref_slice %arg4[%dma_start3A_115, %dma_start3A_116] : memref<100000x128xf32, #tpu.memory_space<hbm>> -> memref<100000x128xf32, #tpu.memory_space<hbm>>
    tpu.enqueue_indirect_dma source(%dma_start3A_117 : memref<100000x128xf32, #tpu.memory_space<hbm>>) target(%arg11 : memref<64x128xf32, #tpu.memory_space<vmem>>) offsets(%dma_start3A_114 : memref<64xi32, #tpu.memory_space<vmem>>) semaphore(%arg13 : memref<!tpu.dma_semaphore, #tpu.memory_space<semaphore_mem>>)
    %broadcast_in_dim3A = arith.constant 0.000000e+00 : f32
    %broadcast_in_dim3A_118 = vector.broadcast %broadcast_in_dim3A : f32 to vector<16xf32>
    %dma_wait3A = arith.constant 0 : i32
    %dma_wait3A_119 = tpu.memref_slice %arg6[%dma_wait3A] : memref<512xi32, #tpu.memory_space<vmem>> -> memref<64xi32, #tpu.memory_space<vmem>>
    %dma_wait3A_120 = arith.constant 0 : i32
    %dma_wait3A_121 = arith.constant 0 : i32
    %dma_wait3A_122 = tpu.memref_slice %arg4[%dma_wait3A_120, %dma_wait3A_121] : memref<100000x128xf32, #tpu.memory_space<hbm>> -> memref<100000x128xf32, #tpu.memory_space<hbm>>
    tpu.wait_indirect_dma semaphore(%arg13 : memref<!tpu.dma_semaphore, #tpu.memory_space<semaphore_mem>>) src(%dma_wait3A_122 : memref<100000x128xf32, #tpu.memory_space<hbm>>) dst(%arg8 : memref<64x128xf32, #tpu.memory_space<vmem>>)
    %dma_wait3A_123 = arith.constant 0 : i32
    %dma_wait3A_124 = arith.constant 0 : i32
    %dma_wait3A_125 = tpu.memref_slice %arg7[%dma_wait3A_123, %dma_wait3A_124] : memref<512x128xf32, #tpu.memory_space<vmem>> -> memref<64x128xf32, #tpu.memory_space<vmem>>
    %dma_wait3A_126 = arith.constant 0 : i32
    %dma_wait3A_127 = tpu.memref_slice %arg2[%add3A_4, %dma_wait3A_126] : memref<16384x128xf32, #tpu.memory_space<hbm>> -> memref<64x128xf32, #tpu.memory_space<hbm>>
    %dma_wait3A_128 = arith.constant 0 : i32
    %dma_wait3A_129 = arith.constant 0 : i32
    %dma_wait3A_130 = tpu.memref_slice %arg7[%dma_wait3A_128, %dma_wait3A_129] : memref<512x128xf32, #tpu.memory_space<vmem>> -> memref<64x128xf32, #tpu.memory_space<vmem>>
    %dma_wait3A_131 = arith.constant 0 : i32
    %dma_wait3A_132 = tpu.memref_slice %arg2[%add3A_4, %dma_wait3A_131] : memref<16384x128xf32, #tpu.memory_space<hbm>> -> memref<64x128xf32, #tpu.memory_space<hbm>>
    tpu.wait_dma2 semaphore(%arg14 : memref<!tpu.dma_semaphore, #tpu.memory_space<semaphore_mem>>) src(%dma_wait3A_132 : memref<64x128xf32, #tpu.memory_space<hbm>>) dst(%dma_wait3A_130 : memref<64x128xf32, #tpu.memory_space<vmem>>)
    %scan3A = arith.constant 0 : i32
    %scan3A_133 = arith.constant 64 : i32
    %scan3A_134 = arith.addi %scan3A, %scan3A_133 : i32
    %scan3A_135 = arith.constant 1 : i32
    %scan3A_136:8 = scf.for %scan3A_318 = %scan3A to %scan3A_134 step %scan3A_135 iter_args(%scan3A_319 = %broadcast_in_dim3A_118, %scan3A_320 = %broadcast_in_dim3A_118, %scan3A_321 = %broadcast_in_dim3A_118, %scan3A_322 = %broadcast_in_dim3A_118, %scan3A_323 = %broadcast_in_dim3A_118, %scan3A_324 = %broadcast_in_dim3A_118, %scan3A_325 = %broadcast_in_dim3A_118, %scan3A_326 = %broadcast_in_dim3A_118) -> (vector<16xf32>, vector<16xf32>, vector<16xf32>, vector<16xf32>, vector<16xf32>, vector<16xf32>, vector<16xf32>, vector<16xf32>)  : i32 {
      %add3A_327 = arith.constant 0 : i32
      %add3A_328 = arith.addi %add3A_327, %scan3A_318 : i32
      %get3A = arith.index_cast %add3A_328 : i32 to index
      %get3A_329 = arith.constant 0 : index
      %get3A_330 = tpu.vector_load %arg7[%get3A, %get3A_329] {strides = array<i32>} : memref<512x128xf32, #tpu.memory_space<vmem>>, vector<1x16xf32>,
      %get3A_331 = vector.shape_cast %get3A_330 : vector<1x16xf32> to vector<16xf32>
      %get3A_332 = arith.index_cast %scan3A_318 : i32 to index
      %get3A_333 = arith.constant 0 : index
      %get3A_334 = tpu.vector_load %arg8[%get3A_332, %get3A_333] {strides = array<i32>} : memref<64x128xf32, #tpu.memory_space<vmem>>, vector<1x16xf32>,
      %get3A_335 = vector.shape_cast %get3A_334 : vector<1x16xf32> to vector<16xf32>
      %sub3A = arith.subf %get3A_331, %get3A_335 : vector<16xf32>
      %mul3A_336 = arith.mulf %sub3A, %sub3A : vector<16xf32>
      %add3A_337 = arith.addf %scan3A_319, %mul3A_336 : vector<16xf32>
      %add3A_338 = arith.constant 0 : i32
      %add3A_339 = arith.addi %add3A_338, %scan3A_318 : i32
      %get3A_340 = arith.index_cast %add3A_339 : i32 to index
      %get3A_341 = arith.constant 16 : index
      %get3A_342 = tpu.vector_load %arg7[%get3A_340, %get3A_341] {strides = array<i32>} : memref<512x128xf32, #tpu.memory_space<vmem>>, vector<1x16xf32>,
      %get3A_343 = vector.shape_cast %get3A_342 : vector<1x16xf32> to vector<16xf32>
      %get3A_344 = arith.index_cast %scan3A_318 : i32 to index
      %get3A_345 = arith.constant 16 : index
      %get3A_346 = tpu.vector_load %arg8[%get3A_344, %get3A_345] {strides = array<i32>} : memref<64x128xf32, #tpu.memory_space<vmem>>, vector<1x16xf32>,
      %get3A_347 = vector.shape_cast %get3A_346 : vector<1x16xf32> to vector<16xf32>
      %sub3A_348 = arith.subf %get3A_343, %get3A_347 : vector<16xf32>
      %mul3A_349 = arith.mulf %sub3A_348, %sub3A_348 : vector<16xf32>
      %add3A_350 = arith.addf %scan3A_320, %mul3A_349 : vector<16xf32>
      %add3A_351 = arith.constant 0 : i32
      %add3A_352 = arith.addi %add3A_351, %scan3A_318 : i32
      %get3A_353 = arith.index_cast %add3A_352 : i32 to index
      %get3A_354 = arith.constant 32 : index
      %get3A_355 = tpu.vector_load %arg7[%get3A_353, %get3A_354] {strides = array<i32>} : memref<512x128xf32, #tpu.memory_space<vmem>>, vector<1x16xf32>,
      %get3A_356 = vector.shape_cast %get3A_355 : vector<1x16xf32> to vector<16xf32>
      %get3A_357 = arith.index_cast %scan3A_318 : i32 to index
      %get3A_358 = arith.constant 32 : index
      %get3A_359 = tpu.vector_load %arg8[%get3A_357, %get3A_358] {strides = array<i32>} : memref<64x128xf32, #tpu.memory_space<vmem>>, vector<1x16xf32>,
      %get3A_360 = vector.shape_cast %get3A_359 : vector<1x16xf32> to vector<16xf32>
      %sub3A_361 = arith.subf %get3A_356, %get3A_360 : vector<16xf32>
      %mul3A_362 = arith.mulf %sub3A_361, %sub3A_361 : vector<16xf32>
      %add3A_363 = arith.addf %scan3A_321, %mul3A_362 : vector<16xf32>
      %add3A_364 = arith.constant 0 : i32
      %add3A_365 = arith.addi %add3A_364, %scan3A_318 : i32
      %get3A_366 = arith.index_cast %add3A_365 : i32 to index
      %get3A_367 = arith.constant 48 : index
      %get3A_368 = tpu.vector_load %arg7[%get3A_366, %get3A_367] {strides = array<i32>} : memref<512x128xf32, #tpu.memory_space<vmem>>, vector<1x16xf32>,
      %get3A_369 = vector.shape_cast %get3A_368 : vector<1x16xf32> to vector<16xf32>
      %get3A_370 = arith.index_cast %scan3A_318 : i32 to index
      %get3A_371 = arith.constant 48 : index
      %get3A_372 = tpu.vector_load %arg8[%get3A_370, %get3A_371] {strides = array<i32>} : memref<64x128xf32, #tpu.memory_space<vmem>>, vector<1x16xf32>,
      %get3A_373 = vector.shape_cast %get3A_372 : vector<1x16xf32> to vector<16xf32>
      %sub3A_374 = arith.subf %get3A_369, %get3A_373 : vector<16xf32>
      %mul3A_375 = arith.mulf %sub3A_374, %sub3A_374 : vector<16xf32>
      %add3A_376 = arith.addf %scan3A_322, %mul3A_375 : vector<16xf32>
      %add3A_377 = arith.constant 0 : i32
      %add3A_378 = arith.addi %add3A_377, %scan3A_318 : i32
      %get3A_379 = arith.index_cast %add3A_378 : i32 to index
      %get3A_380 = arith.constant 64 : index
      %get3A_381 = tpu.vector_load %arg7[%get3A_379, %get3A_380] {strides = array<i32>} : memref<512x128xf32, #tpu.memory_space<vmem>>, vector<1x16xf32>,
      %get3A_382 = vector.shape_cast %get3A_381 : vector<1x16xf32> to vector<16xf32>
      %get3A_383 = arith.index_cast %scan3A_318 : i32 to index
      %get3A_384 = arith.constant 64 : index
      %get3A_385 = tpu.vector_load %arg8[%get3A_383, %get3A_384] {strides = array<i32>} : memref<64x128xf32, #tpu.memory_space<vmem>>, vector<1x16xf32>,
      %get3A_386 = vector.shape_cast %get3A_385 : vector<1x16xf32> to vector<16xf32>
      %sub3A_387 = arith.subf %get3A_382, %get3A_386 : vector<16xf32>
      %mul3A_388 = arith.mulf %sub3A_387, %sub3A_387 : vector<16xf32>
      %add3A_389 = arith.addf %scan3A_323, %mul3A_388 : vector<16xf32>
      %add3A_390 = arith.constant 0 : i32
      %add3A_391 = arith.addi %add3A_390, %scan3A_318 : i32
      %get3A_392 = arith.index_cast %add3A_391 : i32 to index
      %get3A_393 = arith.constant 80 : index
      %get3A_394 = tpu.vector_load %arg7[%get3A_392, %get3A_393] {strides = array<i32>} : memref<512x128xf32, #tpu.memory_space<vmem>>, vector<1x16xf32>,
      %get3A_395 = vector.shape_cast %get3A_394 : vector<1x16xf32> to vector<16xf32>
      %get3A_396 = arith.index_cast %scan3A_318 : i32 to index
      %get3A_397 = arith.constant 80 : index
      %get3A_398 = tpu.vector_load %arg8[%get3A_396, %get3A_397] {strides = array<i32>} : memref<64x128xf32, #tpu.memory_space<vmem>>, vector<1x16xf32>,
      %get3A_399 = vector.shape_cast %get3A_398 : vector<1x16xf32> to vector<16xf32>
      %sub3A_400 = arith.subf %get3A_395, %get3A_399 : vector<16xf32>
      %mul3A_401 = arith.mulf %sub3A_400, %sub3A_400 : vector<16xf32>
      %add3A_402 = arith.addf %scan3A_324, %mul3A_401 : vector<16xf32>
      %add3A_403 = arith.constant 0 : i32
      %add3A_404 = arith.addi %add3A_403, %scan3A_318 : i32
      %get3A_405 = arith.index_cast %add3A_404 : i32 to index
      %get3A_406 = arith.constant 96 : index
      %get3A_407 = tpu.vector_load %arg7[%get3A_405, %get3A_406] {strides = array<i32>} : memref<512x128xf32, #tpu.memory_space<vmem>>, vector<1x16xf32>,
      %get3A_408 = vector.shape_cast %get3A_407 : vector<1x16xf32> to vector<16xf32>
      %get3A_409 = arith.index_cast %scan3A_318 : i32 to index
      %get3A_410 = arith.constant 96 : index
      %get3A_411 = tpu.vector_load %arg8[%get3A_409, %get3A_410] {strides = array<i32>} : memref<64x128xf32, #tpu.memory_space<vmem>>, vector<1x16xf32>,
      %get3A_412 = vector.shape_cast %get3A_411 : vector<1x16xf32> to vector<16xf32>
      %sub3A_413 = arith.subf %get3A_408, %get3A_412 : vector<16xf32>
      %mul3A_414 = arith.mulf %sub3A_413, %sub3A_413 : vector<16xf32>
      %add3A_415 = arith.addf %scan3A_325, %mul3A_414 : vector<16xf32>
      %add3A_416 = arith.constant 0 : i32
      %add3A_417 = arith.addi %add3A_416, %scan3A_318 : i32
      %get3A_418 = arith.index_cast %add3A_417 : i32 to index
      %get3A_419 = arith.constant 112 : index
      %get3A_420 = tpu.vector_load %arg7[%get3A_418, %get3A_419] {strides = array<i32>} : memref<512x128xf32, #tpu.memory_space<vmem>>, vector<1x16xf32>,
      %get3A_421 = vector.shape_cast %get3A_420 : vector<1x16xf32> to vector<16xf32>
      %get3A_422 = arith.index_cast %scan3A_318 : i32 to index
      %get3A_423 = arith.constant 112 : index
      %get3A_424 = tpu.vector_load %arg8[%get3A_422, %get3A_423] {strides = array<i32>} : memref<64x128xf32, #tpu.memory_space<vmem>>, vector<1x16xf32>,
      %get3A_425 = vector.shape_cast %get3A_424 : vector<1x16xf32> to vector<16xf32>
      %sub3A_426 = arith.subf %get3A_421, %get3A_425 : vector<16xf32>
      %mul3A_427 = arith.mulf %sub3A_426, %sub3A_426 : vector<16xf32>
      %add3A_428 = arith.addf %scan3A_326, %mul3A_427 : vector<16xf32>
      scf.yield %add3A_337, %add3A_350, %add3A_363, %add3A_376, %add3A_389, %add3A_402, %add3A_415, %add3A_428 : vector<16xf32>, vector<16xf32>, vector<16xf32>, vector<16xf32>, vector<16xf32>, vector<16xf32>, vector<16xf32>, vector<16xf32>
    }
    %scan3A_137 = arith.constant 64 : i32
    %dma_start3A_138 = arith.constant 256 : i32
    %dma_start3A_139 = tpu.memref_slice %arg6[%dma_start3A_138] : memref<512xi32, #tpu.memory_space<vmem>> -> memref<64xi32, #tpu.memory_space<vmem>>
    %dma_start3A_140 = arith.constant 0 : i32
    %dma_start3A_141 = arith.constant 0 : i32
    %dma_start3A_142 = tpu.memref_slice %arg4[%dma_start3A_140, %dma_start3A_141] : memref<100000x128xf32, #tpu.memory_space<hbm>> -> memref<100000x128xf32, #tpu.memory_space<hbm>>
    tpu.enqueue_indirect_dma source(%dma_start3A_142 : memref<100000x128xf32, #tpu.memory_space<hbm>>) target(%arg8 : memref<64x128xf32, #tpu.memory_space<vmem>>) offsets(%dma_start3A_139 : memref<64xi32, #tpu.memory_space<vmem>>) semaphore(%arg13 : memref<!tpu.dma_semaphore, #tpu.memory_space<semaphore_mem>>)
    %dma_wait3A_143 = arith.constant 64 : i32
    %dma_wait3A_144 = tpu.memref_slice %arg6[%dma_wait3A_143] : memref<512xi32, #tpu.memory_space<vmem>> -> memref<64xi32, #tpu.memory_space<vmem>>
    %dma_wait3A_145 = arith.constant 0 : i32
    %dma_wait3A_146 = arith.constant 0 : i32
    %dma_wait3A_147 = tpu.memref_slice %arg4[%dma_wait3A_145, %dma_wait3A_146] : memref<100000x128xf32, #tpu.memory_space<hbm>> -> memref<100000x128xf32, #tpu.memory_space<hbm>>
    tpu.wait_indirect_dma semaphore(%arg13 : memref<!tpu.dma_semaphore, #tpu.memory_space<semaphore_mem>>) src(%dma_wait3A_147 : memref<100000x128xf32, #tpu.memory_space<hbm>>) dst(%arg9 : memref<64x128xf32, #tpu.memory_space<vmem>>)
    %dma_wait3A_148 = arith.constant 64 : i32
    %dma_wait3A_149 = arith.constant 0 : i32
    %dma_wait3A_150 = tpu.memref_slice %arg7[%dma_wait3A_148, %dma_wait3A_149] : memref<512x128xf32, #tpu.memory_space<vmem>> -> memref<64x128xf32, #tpu.memory_space<vmem>>
    %dma_wait3A_151 = arith.constant 0 : i32
    %dma_wait3A_152 = tpu.memref_slice %arg2[%add3A_15, %dma_wait3A_151] : memref<16384x128xf32, #tpu.memory_space<hbm>> -> memref<64x128xf32, #tpu.memory_space<hbm>>
    %dma_wait3A_153 = arith.constant 64 : i32
    %dma_wait3A_154 = arith.constant 0 : i32
    %dma_wait3A_155 = tpu.memref_slice %arg7[%dma_wait3A_153, %dma_wait3A_154] : memref<512x128xf32, #tpu.memory_space<vmem>> -> memref<64x128xf32, #tpu.memory_space<vmem>>
    %dma_wait3A_156 = arith.constant 0 : i32
    %dma_wait3A_157 = tpu.memref_slice %arg2[%add3A_15, %dma_wait3A_156] : memref<16384x128xf32, #tpu.memory_space<hbm>> -> memref<64x128xf32, #tpu.memory_space<hbm>>
    tpu.wait_dma2 semaphore(%arg14 : memref<!tpu.dma_semaphore, #tpu.memory_space<semaphore_mem>>) src(%dma_wait3A_157 : memref<64x128xf32, #tpu.memory_space<hbm>>) dst(%dma_wait3A_155 : memref<64x128xf32, #tpu.memory_space<vmem>>)
    %scan3A_158 = arith.constant 0 : i32
    %scan3A_159 = arith.constant 64 : i32
    %scan3A_160 = arith.addi %scan3A_158, %scan3A_159 : i32
    %scan3A_161 = arith.constant 1 : i32
    %scan3A_162:8 = scf.for %scan3A_318 = %scan3A_158 to %scan3A_160 step %scan3A_161 iter_args(%scan3A_319 = %scan3A_136#0, %scan3A_320 = %scan3A_136#1, %scan3A_321 = %scan3A_136#2, %scan3A_322 = %scan3A_136#3, %scan3A_323 = %scan3A_136#4, %scan3A_324 = %scan3A_136#5, %scan3A_325 = %scan3A_136#6, %scan3A_326 = %scan3A_136#7) -> (vector<16xf32>, vector<16xf32>, vector<16xf32>, vector<16xf32>, vector<16xf32>, vector<16xf32>, vector<16xf32>, vector<16xf32>)  : i32 {
      %add3A_327 = arith.constant 64 : i32
      %add3A_328 = arith.addi %add3A_327, %scan3A_318 : i32
      %get3A = arith.index_cast %add3A_328 : i32 to index
      %get3A_329 = arith.constant 0 : index
      %get3A_330 = tpu.vector_load %arg7[%get3A, %get3A_329] {strides = array<i32>} : memref<512x128xf32, #tpu.memory_space<vmem>>, vector<1x16xf32>,
      %get3A_331 = vector.shape_cast %get3A_330 : vector<1x16xf32> to vector<16xf32>
      %get3A_332 = arith.index_cast %scan3A_318 : i32 to index
      %get3A_333 = arith.constant 0 : index
      %get3A_334 = tpu.vector_load %arg9[%get3A_332, %get3A_333] {strides = array<i32>} : memref<64x128xf32, #tpu.memory_space<vmem>>, vector<1x16xf32>,
      %get3A_335 = vector.shape_cast %get3A_334 : vector<1x16xf32> to vector<16xf32>
      %sub3A = arith.subf %get3A_331, %get3A_335 : vector<16xf32>
      %mul3A_336 = arith.mulf %sub3A, %sub3A : vector<16xf32>
      %add3A_337 = arith.addf %scan3A_319, %mul3A_336 : vector<16xf32>
      %add3A_338 = arith.constant 64 : i32
      %add3A_339 = arith.addi %add3A_338, %scan3A_318 : i32
      %get3A_340 = arith.index_cast %add3A_339 : i32 to index
      %get3A_341 = arith.constant 16 : index
      %get3A_342 = tpu.vector_load %arg7[%get3A_340, %get3A_341] {strides = array<i32>} : memref<512x128xf32, #tpu.memory_space<vmem>>, vector<1x16xf32>,
      %get3A_343 = vector.shape_cast %get3A_342 : vector<1x16xf32> to vector<16xf32>
      %get3A_344 = arith.index_cast %scan3A_318 : i32 to index
      %get3A_345 = arith.constant 16 : index
      %get3A_346 = tpu.vector_load %arg9[%get3A_344, %get3A_345] {strides = array<i32>} : memref<64x128xf32, #tpu.memory_space<vmem>>, vector<1x16xf32>,
      %get3A_347 = vector.shape_cast %get3A_346 : vector<1x16xf32> to vector<16xf32>
      %sub3A_348 = arith.subf %get3A_343, %get3A_347 : vector<16xf32>
      %mul3A_349 = arith.mulf %sub3A_348, %sub3A_348 : vector<16xf32>
      %add3A_350 = arith.addf %scan3A_320, %mul3A_349 : vector<16xf32>
      %add3A_351 = arith.constant 64 : i32
      %add3A_352 = arith.addi %add3A_351, %scan3A_318 : i32
      %get3A_353 = arith.index_cast %add3A_352 : i32 to index
      %get3A_354 = arith.constant 32 : index
      %get3A_355 = tpu.vector_load %arg7[%get3A_353, %get3A_354] {strides = array<i32>} : memref<512x128xf32, #tpu.memory_space<vmem>>, vector<1x16xf32>,
      %get3A_356 = vector.shape_cast %get3A_355 : vector<1x16xf32> to vector<16xf32>
      %get3A_357 = arith.index_cast %scan3A_318 : i32 to index
      %get3A_358 = arith.constant 32 : index
      %get3A_359 = tpu.vector_load %arg9[%get3A_357, %get3A_358] {strides = array<i32>} : memref<64x128xf32, #tpu.memory_space<vmem>>, vector<1x16xf32>,
      %get3A_360 = vector.shape_cast %get3A_359 : vector<1x16xf32> to vector<16xf32>
      %sub3A_361 = arith.subf %get3A_356, %get3A_360 : vector<16xf32>
      %mul3A_362 = arith.mulf %sub3A_361, %sub3A_361 : vector<16xf32>
      %add3A_363 = arith.addf %scan3A_321, %mul3A_362 : vector<16xf32>
      %add3A_364 = arith.constant 64 : i32
      %add3A_365 = arith.addi %add3A_364, %scan3A_318 : i32
      %get3A_366 = arith.index_cast %add3A_365 : i32 to index
      %get3A_367 = arith.constant 48 : index
      %get3A_368 = tpu.vector_load %arg7[%get3A_366, %get3A_367] {strides = array<i32>} : memref<512x128xf32, #tpu.memory_space<vmem>>, vector<1x16xf32>,
      %get3A_369 = vector.shape_cast %get3A_368 : vector<1x16xf32> to vector<16xf32>
      %get3A_370 = arith.index_cast %scan3A_318 : i32 to index
      %get3A_371 = arith.constant 48 : index
      %get3A_372 = tpu.vector_load %arg9[%get3A_370, %get3A_371] {strides = array<i32>} : memref<64x128xf32, #tpu.memory_space<vmem>>, vector<1x16xf32>,
      %get3A_373 = vector.shape_cast %get3A_372 : vector<1x16xf32> to vector<16xf32>
      %sub3A_374 = arith.subf %get3A_369, %get3A_373 : vector<16xf32>
      %mul3A_375 = arith.mulf %sub3A_374, %sub3A_374 : vector<16xf32>
      %add3A_376 = arith.addf %scan3A_322, %mul3A_375 : vector<16xf32>
      %add3A_377 = arith.constant 64 : i32
      %add3A_378 = arith.addi %add3A_377, %scan3A_318 : i32
      %get3A_379 = arith.index_cast %add3A_378 : i32 to index
      %get3A_380 = arith.constant 64 : index
      %get3A_381 = tpu.vector_load %arg7[%get3A_379, %get3A_380] {strides = array<i32>} : memref<512x128xf32, #tpu.memory_space<vmem>>, vector<1x16xf32>,
      %get3A_382 = vector.shape_cast %get3A_381 : vector<1x16xf32> to vector<16xf32>
      %get3A_383 = arith.index_cast %scan3A_318 : i32 to index
      %get3A_384 = arith.constant 64 : index
      %get3A_385 = tpu.vector_load %arg9[%get3A_383, %get3A_384] {strides = array<i32>} : memref<64x128xf32, #tpu.memory_space<vmem>>, vector<1x16xf32>,
      %get3A_386 = vector.shape_cast %get3A_385 : vector<1x16xf32> to vector<16xf32>
      %sub3A_387 = arith.subf %get3A_382, %get3A_386 : vector<16xf32>
      %mul3A_388 = arith.mulf %sub3A_387, %sub3A_387 : vector<16xf32>
      %add3A_389 = arith.addf %scan3A_323, %mul3A_388 : vector<16xf32>
      %add3A_390 = arith.constant 64 : i32
      %add3A_391 = arith.addi %add3A_390, %scan3A_318 : i32
      %get3A_392 = arith.index_cast %add3A_391 : i32 to index
      %get3A_393 = arith.constant 80 : index
      %get3A_394 = tpu.vector_load %arg7[%get3A_392, %get3A_393] {strides = array<i32>} : memref<512x128xf32, #tpu.memory_space<vmem>>, vector<1x16xf32>,
      %get3A_395 = vector.shape_cast %get3A_394 : vector<1x16xf32> to vector<16xf32>
      %get3A_396 = arith.index_cast %scan3A_318 : i32 to index
      %get3A_397 = arith.constant 80 : index
      %get3A_398 = tpu.vector_load %arg9[%get3A_396, %get3A_397] {strides = array<i32>} : memref<64x128xf32, #tpu.memory_space<vmem>>, vector<1x16xf32>,
      %get3A_399 = vector.shape_cast %get3A_398 : vector<1x16xf32> to vector<16xf32>
      %sub3A_400 = arith.subf %get3A_395, %get3A_399 : vector<16xf32>
      %mul3A_401 = arith.mulf %sub3A_400, %sub3A_400 : vector<16xf32>
      %add3A_402 = arith.addf %scan3A_324, %mul3A_401 : vector<16xf32>
      %add3A_403 = arith.constant 64 : i32
      %add3A_404 = arith.addi %add3A_403, %scan3A_318 : i32
      %get3A_405 = arith.index_cast %add3A_404 : i32 to index
      %get3A_406 = arith.constant 96 : index
      %get3A_407 = tpu.vector_load %arg7[%get3A_405, %get3A_406] {strides = array<i32>} : memref<512x128xf32, #tpu.memory_space<vmem>>, vector<1x16xf32>,
      %get3A_408 = vector.shape_cast %get3A_407 : vector<1x16xf32> to vector<16xf32>
      %get3A_409 = arith.index_cast %scan3A_318 : i32 to index
      %get3A_410 = arith.constant 96 : index
      %get3A_411 = tpu.vector_load %arg9[%get3A_409, %get3A_410] {strides = array<i32>} : memref<64x128xf32, #tpu.memory_space<vmem>>, vector<1x16xf32>,
      %get3A_412 = vector.shape_cast %get3A_411 : vector<1x16xf32> to vector<16xf32>
      %sub3A_413 = arith.subf %get3A_408, %get3A_412 : vector<16xf32>
      %mul3A_414 = arith.mulf %sub3A_413, %sub3A_413 : vector<16xf32>
      %add3A_415 = arith.addf %scan3A_325, %mul3A_414 : vector<16xf32>
      %add3A_416 = arith.constant 64 : i32
      %add3A_417 = arith.addi %add3A_416, %scan3A_318 : i32
      %get3A_418 = arith.index_cast %add3A_417 : i32 to index
      %get3A_419 = arith.constant 112 : index
      %get3A_420 = tpu.vector_load %arg7[%get3A_418, %get3A_419] {strides = array<i32>} : memref<512x128xf32, #tpu.memory_space<vmem>>, vector<1x16xf32>,
      %get3A_421 = vector.shape_cast %get3A_420 : vector<1x16xf32> to vector<16xf32>
      %get3A_422 = arith.index_cast %scan3A_318 : i32 to index
      %get3A_423 = arith.constant 112 : index
      %get3A_424 = tpu.vector_load %arg9[%get3A_422, %get3A_423] {strides = array<i32>} : memref<64x128xf32, #tpu.memory_space<vmem>>, vector<1x16xf32>,
      %get3A_425 = vector.shape_cast %get3A_424 : vector<1x16xf32> to vector<16xf32>
      %sub3A_426 = arith.subf %get3A_421, %get3A_425 : vector<16xf32>
      %mul3A_427 = arith.mulf %sub3A_426, %sub3A_426 : vector<16xf32>
      %add3A_428 = arith.addf %scan3A_326, %mul3A_427 : vector<16xf32>
      scf.yield %add3A_337, %add3A_350, %add3A_363, %add3A_376, %add3A_389, %add3A_402, %add3A_415, %add3A_428 : vector<16xf32>, vector<16xf32>, vector<16xf32>, vector<16xf32>, vector<16xf32>, vector<16xf32>, vector<16xf32>, vector<16xf32>
    }
    %scan3A_163 = arith.constant 64 : i32
    %dma_start3A_164 = arith.constant 320 : i32
    %dma_start3A_165 = tpu.memref_slice %arg6[%dma_start3A_164] : memref<512xi32, #tpu.memory_space<vmem>> -> memref<64xi32, #tpu.memory_space<vmem>>
    %dma_start3A_166 = arith.constant 0 : i32
    %dma_start3A_167 = arith.constant 0 : i32
    %dma_start3A_168 = tpu.memref_slice %arg4[%dma_start3A_166, %dma_start3A_167] : memref<100000x128xf32, #tpu.memory_space<hbm>> -> memref<100000x128xf32, #tpu.memory_space<hbm>>
    tpu.enqueue_indirect_dma source(%dma_start3A_168 : memref<100000x128xf32, #tpu.memory_space<hbm>>) target(%arg9 : memref<64x128xf32, #tpu.memory_space<vmem>>) offsets(%dma_start3A_165 : memref<64xi32, #tpu.memory_space<vmem>>) semaphore(%arg13 : memref<!tpu.dma_semaphore, #tpu.memory_space<semaphore_mem>>)
    %dma_wait3A_169 = arith.constant 128 : i32
    %dma_wait3A_170 = tpu.memref_slice %arg6[%dma_wait3A_169] : memref<512xi32, #tpu.memory_space<vmem>> -> memref<64xi32, #tpu.memory_space<vmem>>
    %dma_wait3A_171 = arith.constant 0 : i32
    %dma_wait3A_172 = arith.constant 0 : i32
    %dma_wait3A_173 = tpu.memref_slice %arg4[%dma_wait3A_171, %dma_wait3A_172] : memref<100000x128xf32, #tpu.memory_space<hbm>> -> memref<100000x128xf32, #tpu.memory_space<hbm>>
    tpu.wait_indirect_dma semaphore(%arg13 : memref<!tpu.dma_semaphore, #tpu.memory_space<semaphore_mem>>) src(%dma_wait3A_173 : memref<100000x128xf32, #tpu.memory_space<hbm>>) dst(%arg10 : memref<64x128xf32, #tpu.memory_space<vmem>>)
    %dma_wait3A_174 = arith.constant 128 : i32
    %dma_wait3A_175 = arith.constant 0 : i32
    %dma_wait3A_176 = tpu.memref_slice %arg7[%dma_wait3A_174, %dma_wait3A_175] : memref<512x128xf32, #tpu.memory_space<vmem>> -> memref<64x128xf32, #tpu.memory_space<vmem>>
    %dma_wait3A_177 = arith.constant 0 : i32
    %dma_wait3A_178 = tpu.memref_slice %arg2[%add3A_27, %dma_wait3A_177] : memref<16384x128xf32, #tpu.memory_space<hbm>> -> memref<64x128xf32, #tpu.memory_space<hbm>>
    %dma_wait3A_179 = arith.constant 128 : i32
    %dma_wait3A_180 = arith.constant 0 : i32
    %dma_wait3A_181 = tpu.memref_slice %arg7[%dma_wait3A_179, %dma_wait3A_180] : memref<512x128xf32, #tpu.memory_space<vmem>> -> memref<64x128xf32, #tpu.memory_space<vmem>>
    %dma_wait3A_182 = arith.constant 0 : i32
    %dma_wait3A_183 = tpu.memref_slice %arg2[%add3A_27, %dma_wait3A_182] : memref<16384x128xf32, #tpu.memory_space<hbm>> -> memref<64x128xf32, #tpu.memory_space<hbm>>
    tpu.wait_dma2 semaphore(%arg14 : memref<!tpu.dma_semaphore, #tpu.memory_space<semaphore_mem>>) src(%dma_wait3A_183 : memref<64x128xf32, #tpu.memory_space<hbm>>) dst(%dma_wait3A_181 : memref<64x128xf32, #tpu.memory_space<vmem>>)
    %scan3A_184 = arith.constant 0 : i32
    %scan3A_185 = arith.constant 64 : i32
    %scan3A_186 = arith.addi %scan3A_184, %scan3A_185 : i32
    %scan3A_187 = arith.constant 1 : i32
    %scan3A_188:8 = scf.for %scan3A_318 = %scan3A_184 to %scan3A_186 step %scan3A_187 iter_args(%scan3A_319 = %scan3A_162#0, %scan3A_320 = %scan3A_162#1, %scan3A_321 = %scan3A_162#2, %scan3A_322 = %scan3A_162#3, %scan3A_323 = %scan3A_162#4, %scan3A_324 = %scan3A_162#5, %scan3A_325 = %scan3A_162#6, %scan3A_326 = %scan3A_162#7) -> (vector<16xf32>, vector<16xf32>, vector<16xf32>, vector<16xf32>, vector<16xf32>, vector<16xf32>, vector<16xf32>, vector<16xf32>)  : i32 {
      %add3A_327 = arith.constant 128 : i32
      %add3A_328 = arith.addi %add3A_327, %scan3A_318 : i32
      %get3A = arith.index_cast %add3A_328 : i32 to index
      %get3A_329 = arith.constant 0 : index
      %get3A_330 = tpu.vector_load %arg7[%get3A, %get3A_329] {strides = array<i32>} : memref<512x128xf32, #tpu.memory_space<vmem>>, vector<1x16xf32>,
      %get3A_331 = vector.shape_cast %get3A_330 : vector<1x16xf32> to vector<16xf32>
      %get3A_332 = arith.index_cast %scan3A_318 : i32 to index
      %get3A_333 = arith.constant 0 : index
      %get3A_334 = tpu.vector_load %arg10[%get3A_332, %get3A_333] {strides = array<i32>} : memref<64x128xf32, #tpu.memory_space<vmem>>, vector<1x16xf32>,
      %get3A_335 = vector.shape_cast %get3A_334 : vector<1x16xf32> to vector<16xf32>
      %sub3A = arith.subf %get3A_331, %get3A_335 : vector<16xf32>
      %mul3A_336 = arith.mulf %sub3A, %sub3A : vector<16xf32>
      %add3A_337 = arith.addf %scan3A_319, %mul3A_336 : vector<16xf32>
      %add3A_338 = arith.constant 128 : i32
      %add3A_339 = arith.addi %add3A_338, %scan3A_318 : i32
      %get3A_340 = arith.index_cast %add3A_339 : i32 to index
      %get3A_341 = arith.constant 16 : index
      %get3A_342 = tpu.vector_load %arg7[%get3A_340, %get3A_341] {strides = array<i32>} : memref<512x128xf32, #tpu.memory_space<vmem>>, vector<1x16xf32>,
      %get3A_343 = vector.shape_cast %get3A_342 : vector<1x16xf32> to vector<16xf32>
      %get3A_344 = arith.index_cast %scan3A_318 : i32 to index
      %get3A_345 = arith.constant 16 : index
      %get3A_346 = tpu.vector_load %arg10[%get3A_344, %get3A_345] {strides = array<i32>} : memref<64x128xf32, #tpu.memory_space<vmem>>, vector<1x16xf32>,
      %get3A_347 = vector.shape_cast %get3A_346 : vector<1x16xf32> to vector<16xf32>
      %sub3A_348 = arith.subf %get3A_343, %get3A_347 : vector<16xf32>
      %mul3A_349 = arith.mulf %sub3A_348, %sub3A_348 : vector<16xf32>
      %add3A_350 = arith.addf %scan3A_320, %mul3A_349 : vector<16xf32>
      %add3A_351 = arith.constant 128 : i32
      %add3A_352 = arith.addi %add3A_351, %scan3A_318 : i32
      %get3A_353 = arith.index_cast %add3A_352 : i32 to index
      %get3A_354 = arith.constant 32 : index
      %get3A_355 = tpu.vector_load %arg7[%get3A_353, %get3A_354] {strides = array<i32>} : memref<512x128xf32, #tpu.memory_space<vmem>>, vector<1x16xf32>,
      %get3A_356 = vector.shape_cast %get3A_355 : vector<1x16xf32> to vector<16xf32>
      %get3A_357 = arith.index_cast %scan3A_318 : i32 to index
      %get3A_358 = arith.constant 32 : index
      %get3A_359 = tpu.vector_load %arg10[%get3A_357, %get3A_358] {strides = array<i32>} : memref<64x128xf32, #tpu.memory_space<vmem>>, vector<1x16xf32>,
      %get3A_360 = vector.shape_cast %get3A_359 : vector<1x16xf32> to vector<16xf32>
      %sub3A_361 = arith.subf %get3A_356, %get3A_360 : vector<16xf32>
      %mul3A_362 = arith.mulf %sub3A_361, %sub3A_361 : vector<16xf32>
      %add3A_363 = arith.addf %scan3A_321, %mul3A_362 : vector<16xf32>
      %add3A_364 = arith.constant 128 : i32
      %add3A_365 = arith.addi %add3A_364, %scan3A_318 : i32
      %get3A_366 = arith.index_cast %add3A_365 : i32 to index
      %get3A_367 = arith.constant 48 : index
      %get3A_368 = tpu.vector_load %arg7[%get3A_366, %get3A_367] {strides = array<i32>} : memref<512x128xf32, #tpu.memory_space<vmem>>, vector<1x16xf32>,
      %get3A_369 = vector.shape_cast %get3A_368 : vector<1x16xf32> to vector<16xf32>
      %get3A_370 = arith.index_cast %scan3A_318 : i32 to index
      %get3A_371 = arith.constant 48 : index
      %get3A_372 = tpu.vector_load %arg10[%get3A_370, %get3A_371] {strides = array<i32>} : memref<64x128xf32, #tpu.memory_space<vmem>>, vector<1x16xf32>,
      %get3A_373 = vector.shape_cast %get3A_372 : vector<1x16xf32> to vector<16xf32>
      %sub3A_374 = arith.subf %get3A_369, %get3A_373 : vector<16xf32>
      %mul3A_375 = arith.mulf %sub3A_374, %sub3A_374 : vector<16xf32>
      %add3A_376 = arith.addf %scan3A_322, %mul3A_375 : vector<16xf32>
      %add3A_377 = arith.constant 128 : i32
      %add3A_378 = arith.addi %add3A_377, %scan3A_318 : i32
      %get3A_379 = arith.index_cast %add3A_378 : i32 to index
      %get3A_380 = arith.constant 64 : index
      %get3A_381 = tpu.vector_load %arg7[%get3A_379, %get3A_380] {strides = array<i32>} : memref<512x128xf32, #tpu.memory_space<vmem>>, vector<1x16xf32>,
      %get3A_382 = vector.shape_cast %get3A_381 : vector<1x16xf32> to vector<16xf32>
      %get3A_383 = arith.index_cast %scan3A_318 : i32 to index
      %get3A_384 = arith.constant 64 : index
      %get3A_385 = tpu.vector_load %arg10[%get3A_383, %get3A_384] {strides = array<i32>} : memref<64x128xf32, #tpu.memory_space<vmem>>, vector<1x16xf32>,
      %get3A_386 = vector.shape_cast %get3A_385 : vector<1x16xf32> to vector<16xf32>
      %sub3A_387 = arith.subf %get3A_382, %get3A_386 : vector<16xf32>
      %mul3A_388 = arith.mulf %sub3A_387, %sub3A_387 : vector<16xf32>
      %add3A_389 = arith.addf %scan3A_323, %mul3A_388 : vector<16xf32>
      %add3A_390 = arith.constant 128 : i32
      %add3A_391 = arith.addi %add3A_390, %scan3A_318 : i32
      %get3A_392 = arith.index_cast %add3A_391 : i32 to index
      %get3A_393 = arith.constant 80 : index
      %get3A_394 = tpu.vector_load %arg7[%get3A_392, %get3A_393] {strides = array<i32>} : memref<512x128xf32, #tpu.memory_space<vmem>>, vector<1x16xf32>,
      %get3A_395 = vector.shape_cast %get3A_394 : vector<1x16xf32> to vector<16xf32>
      %get3A_396 = arith.index_cast %scan3A_318 : i32 to index
      %get3A_397 = arith.constant 80 : index
      %get3A_398 = tpu.vector_load %arg10[%get3A_396, %get3A_397] {strides = array<i32>} : memref<64x128xf32, #tpu.memory_space<vmem>>, vector<1x16xf32>,
      %get3A_399 = vector.shape_cast %get3A_398 : vector<1x16xf32> to vector<16xf32>
      %sub3A_400 = arith.subf %get3A_395, %get3A_399 : vector<16xf32>
      %mul3A_401 = arith.mulf %sub3A_400, %sub3A_400 : vector<16xf32>
      %add3A_402 = arith.addf %scan3A_324, %mul3A_401 : vector<16xf32>
      %add3A_403 = arith.constant 128 : i32
      %add3A_404 = arith.addi %add3A_403, %scan3A_318 : i32
      %get3A_405 = arith.index_cast %add3A_404 : i32 to index
      %get3A_406 = arith.constant 96 : index
      %get3A_407 = tpu.vector_load %arg7[%get3A_405, %get3A_406] {strides = array<i32>} : memref<512x128xf32, #tpu.memory_space<vmem>>, vector<1x16xf32>,
      %get3A_408 = vector.shape_cast %get3A_407 : vector<1x16xf32> to vector<16xf32>
      %get3A_409 = arith.index_cast %scan3A_318 : i32 to index
      %get3A_410 = arith.constant 96 : index
      %get3A_411 = tpu.vector_load %arg10[%get3A_409, %get3A_410] {strides = array<i32>} : memref<64x128xf32, #tpu.memory_space<vmem>>, vector<1x16xf32>,
      %get3A_412 = vector.shape_cast %get3A_411 : vector<1x16xf32> to vector<16xf32>
      %sub3A_413 = arith.subf %get3A_408, %get3A_412 : vector<16xf32>
      %mul3A_414 = arith.mulf %sub3A_413, %sub3A_413 : vector<16xf32>
      %add3A_415 = arith.addf %scan3A_325, %mul3A_414 : vector<16xf32>
      %add3A_416 = arith.constant 128 : i32
      %add3A_417 = arith.addi %add3A_416, %scan3A_318 : i32
      %get3A_418 = arith.index_cast %add3A_417 : i32 to index
      %get3A_419 = arith.constant 112 : index
      %get3A_420 = tpu.vector_load %arg7[%get3A_418, %get3A_419] {strides = array<i32>} : memref<512x128xf32, #tpu.memory_space<vmem>>, vector<1x16xf32>,
      %get3A_421 = vector.shape_cast %get3A_420 : vector<1x16xf32> to vector<16xf32>
      %get3A_422 = arith.index_cast %scan3A_318 : i32 to index
      %get3A_423 = arith.constant 112 : index
      %get3A_424 = tpu.vector_load %arg10[%get3A_422, %get3A_423] {strides = array<i32>} : memref<64x128xf32, #tpu.memory_space<vmem>>, vector<1x16xf32>,
      %get3A_425 = vector.shape_cast %get3A_424 : vector<1x16xf32> to vector<16xf32>
      %sub3A_426 = arith.subf %get3A_421, %get3A_425 : vector<16xf32>
      %mul3A_427 = arith.mulf %sub3A_426, %sub3A_426 : vector<16xf32>
      %add3A_428 = arith.addf %scan3A_326, %mul3A_427 : vector<16xf32>
      scf.yield %add3A_337, %add3A_350, %add3A_363, %add3A_376, %add3A_389, %add3A_402, %add3A_415, %add3A_428 : vector<16xf32>, vector<16xf32>, vector<16xf32>, vector<16xf32>, vector<16xf32>, vector<16xf32>, vector<16xf32>, vector<16xf32>
    }
    %scan3A_189 = arith.constant 64 : i32
    %dma_start3A_190 = arith.constant 384 : i32
    %dma_start3A_191 = tpu.memref_slice %arg6[%dma_start3A_190] : memref<512xi32, #tpu.memory_space<vmem>> -> memref<64xi32, #tpu.memory_space<vmem>>
    %dma_start3A_192 = arith.constant 0 : i32
    %dma_start3A_193 = arith.constant 0 : i32
    %dma_start3A_194 = tpu.memref_slice %arg4[%dma_start3A_192, %dma_start3A_193] : memref<100000x128xf32, #tpu.memory_space<hbm>> -> memref<100000x128xf32, #tpu.memory_space<hbm>>
    tpu.enqueue_indirect_dma source(%dma_start3A_194 : memref<100000x128xf32, #tpu.memory_space<hbm>>) target(%arg10 : memref<64x128xf32, #tpu.memory_space<vmem>>) offsets(%dma_start3A_191 : memref<64xi32, #tpu.memory_space<vmem>>) semaphore(%arg13 : memref<!tpu.dma_semaphore, #tpu.memory_space<semaphore_mem>>)
    %dma_wait3A_195 = arith.constant 192 : i32
    %dma_wait3A_196 = tpu.memref_slice %arg6[%dma_wait3A_195] : memref<512xi32, #tpu.memory_space<vmem>> -> memref<64xi32, #tpu.memory_space<vmem>>
    %dma_wait3A_197 = arith.constant 0 : i32
    %dma_wait3A_198 = arith.constant 0 : i32
    %dma_wait3A_199 = tpu.memref_slice %arg4[%dma_wait3A_197, %dma_wait3A_198] : memref<100000x128xf32, #tpu.memory_space<hbm>> -> memref<100000x128xf32, #tpu.memory_space<hbm>>
    tpu.wait_indirect_dma semaphore(%arg13 : memref<!tpu.dma_semaphore, #tpu.memory_space<semaphore_mem>>) src(%dma_wait3A_199 : memref<100000x128xf32, #tpu.memory_space<hbm>>) dst(%arg11 : memref<64x128xf32, #tpu.memory_space<vmem>>)
    %dma_wait3A_200 = arith.constant 192 : i32
    %dma_wait3A_201 = arith.constant 0 : i32
    %dma_wait3A_202 = tpu.memref_slice %arg7[%dma_wait3A_200, %dma_wait3A_201] : memref<512x128xf32, #tpu.memory_space<vmem>> -> memref<64x128xf32, #tpu.memory_space<vmem>>
    %dma_wait3A_203 = arith.constant 0 : i32
    %dma_wait3A_204 = tpu.memref_slice %arg2[%add3A_39, %dma_wait3A_203] : memref<16384x128xf32, #tpu.memory_space<hbm>> -> memref<64x128xf32, #tpu.memory_space<hbm>>
    %dma_wait3A_205 = arith.constant 192 : i32
    %dma_wait3A_206 = arith.constant 0 : i32
    %dma_wait3A_207 = tpu.memref_slice %arg7[%dma_wait3A_205, %dma_wait3A_206] : memref<512x128xf32, #tpu.memory_space<vmem>> -> memref<64x128xf32, #tpu.memory_space<vmem>>
    %dma_wait3A_208 = arith.constant 0 : i32
    %dma_wait3A_209 = tpu.memref_slice %arg2[%add3A_39, %dma_wait3A_208] : memref<16384x128xf32, #tpu.memory_space<hbm>> -> memref<64x128xf32, #tpu.memory_space<hbm>>
    tpu.wait_dma2 semaphore(%arg14 : memref<!tpu.dma_semaphore, #tpu.memory_space<semaphore_mem>>) src(%dma_wait3A_209 : memref<64x128xf32, #tpu.memory_space<hbm>>) dst(%dma_wait3A_207 : memref<64x128xf32, #tpu.memory_space<vmem>>)
    %scan3A_210 = arith.constant 0 : i32
    %scan3A_211 = arith.constant 64 : i32
    %scan3A_212 = arith.addi %scan3A_210, %scan3A_211 : i32
    %scan3A_213 = arith.constant 1 : i32
    %scan3A_214:8 = scf.for %scan3A_318 = %scan3A_210 to %scan3A_212 step %scan3A_213 iter_args(%scan3A_319 = %scan3A_188#0, %scan3A_320 = %scan3A_188#1, %scan3A_321 = %scan3A_188#2, %scan3A_322 = %scan3A_188#3, %scan3A_323 = %scan3A_188#4, %scan3A_324 = %scan3A_188#5, %scan3A_325 = %scan3A_188#6, %scan3A_326 = %scan3A_188#7) -> (vector<16xf32>, vector<16xf32>, vector<16xf32>, vector<16xf32>, vector<16xf32>, vector<16xf32>, vector<16xf32>, vector<16xf32>)  : i32 {
      %add3A_327 = arith.constant 192 : i32
      %add3A_328 = arith.addi %add3A_327, %scan3A_318 : i32
      %get3A = arith.index_cast %add3A_328 : i32 to index
      %get3A_329 = arith.constant 0 : index
      %get3A_330 = tpu.vector_load %arg7[%get3A, %get3A_329] {strides = array<i32>} : memref<512x128xf32, #tpu.memory_space<vmem>>, vector<1x16xf32>,
      %get3A_331 = vector.shape_cast %get3A_330 : vector<1x16xf32> to vector<16xf32>
      %get3A_332 = arith.index_cast %scan3A_318 : i32 to index
      %get3A_333 = arith.constant 0 : index
      %get3A_334 = tpu.vector_load %arg11[%get3A_332, %get3A_333] {strides = array<i32>} : memref<64x128xf32, #tpu.memory_space<vmem>>, vector<1x16xf32>,
      %get3A_335 = vector.shape_cast %get3A_334 : vector<1x16xf32> to vector<16xf32>
      %sub3A = arith.subf %get3A_331, %get3A_335 : vector<16xf32>
      %mul3A_336 = arith.mulf %sub3A, %sub3A : vector<16xf32>
      %add3A_337 = arith.addf %scan3A_319, %mul3A_336 : vector<16xf32>
      %add3A_338 = arith.constant 192 : i32
      %add3A_339 = arith.addi %add3A_338, %scan3A_318 : i32
      %get3A_340 = arith.index_cast %add3A_339 : i32 to index
      %get3A_341 = arith.constant 16 : index
      %get3A_342 = tpu.vector_load %arg7[%get3A_340, %get3A_341] {strides = array<i32>} : memref<512x128xf32, #tpu.memory_space<vmem>>, vector<1x16xf32>,
      %get3A_343 = vector.shape_cast %get3A_342 : vector<1x16xf32> to vector<16xf32>
      %get3A_344 = arith.index_cast %scan3A_318 : i32 to index
      %get3A_345 = arith.constant 16 : index
      %get3A_346 = tpu.vector_load %arg11[%get3A_344, %get3A_345] {strides = array<i32>} : memref<64x128xf32, #tpu.memory_space<vmem>>, vector<1x16xf32>,
      %get3A_347 = vector.shape_cast %get3A_346 : vector<1x16xf32> to vector<16xf32>
      %sub3A_348 = arith.subf %get3A_343, %get3A_347 : vector<16xf32>
      %mul3A_349 = arith.mulf %sub3A_348, %sub3A_348 : vector<16xf32>
      %add3A_350 = arith.addf %scan3A_320, %mul3A_349 : vector<16xf32>
      %add3A_351 = arith.constant 192 : i32
      %add3A_352 = arith.addi %add3A_351, %scan3A_318 : i32
      %get3A_353 = arith.index_cast %add3A_352 : i32 to index
      %get3A_354 = arith.constant 32 : index
      %get3A_355 = tpu.vector_load %arg7[%get3A_353, %get3A_354] {strides = array<i32>} : memref<512x128xf32, #tpu.memory_space<vmem>>, vector<1x16xf32>,
      %get3A_356 = vector.shape_cast %get3A_355 : vector<1x16xf32> to vector<16xf32>
      %get3A_357 = arith.index_cast %scan3A_318 : i32 to index
      %get3A_358 = arith.constant 32 : index
      %get3A_359 = tpu.vector_load %arg11[%get3A_357, %get3A_358] {strides = array<i32>} : memref<64x128xf32, #tpu.memory_space<vmem>>, vector<1x16xf32>,
      %get3A_360 = vector.shape_cast %get3A_359 : vector<1x16xf32> to vector<16xf32>
      %sub3A_361 = arith.subf %get3A_356, %get3A_360 : vector<16xf32>
      %mul3A_362 = arith.mulf %sub3A_361, %sub3A_361 : vector<16xf32>
      %add3A_363 = arith.addf %scan3A_321, %mul3A_362 : vector<16xf32>
      %add3A_364 = arith.constant 192 : i32
      %add3A_365 = arith.addi %add3A_364, %scan3A_318 : i32
      %get3A_366 = arith.index_cast %add3A_365 : i32 to index
      %get3A_367 = arith.constant 48 : index
      %get3A_368 = tpu.vector_load %arg7[%get3A_366, %get3A_367] {strides = array<i32>} : memref<512x128xf32, #tpu.memory_space<vmem>>, vector<1x16xf32>,
      %get3A_369 = vector.shape_cast %get3A_368 : vector<1x16xf32> to vector<16xf32>
      %get3A_370 = arith.index_cast %scan3A_318 : i32 to index
      %get3A_371 = arith.constant 48 : index
      %get3A_372 = tpu.vector_load %arg11[%get3A_370, %get3A_371] {strides = array<i32>} : memref<64x128xf32, #tpu.memory_space<vmem>>, vector<1x16xf32>,
      %get3A_373 = vector.shape_cast %get3A_372 : vector<1x16xf32> to vector<16xf32>
      %sub3A_374 = arith.subf %get3A_369, %get3A_373 : vector<16xf32>
      %mul3A_375 = arith.mulf %sub3A_374, %sub3A_374 : vector<16xf32>
      %add3A_376 = arith.addf %scan3A_322, %mul3A_375 : vector<16xf32>
      %add3A_377 = arith.constant 192 : i32
      %add3A_378 = arith.addi %add3A_377, %scan3A_318 : i32
      %get3A_379 = arith.index_cast %add3A_378 : i32 to index
      %get3A_380 = arith.constant 64 : index
      %get3A_381 = tpu.vector_load %arg7[%get3A_379, %get3A_380] {strides = array<i32>} : memref<512x128xf32, #tpu.memory_space<vmem>>, vector<1x16xf32>,
      %get3A_382 = vector.shape_cast %get3A_381 : vector<1x16xf32> to vector<16xf32>
      %get3A_383 = arith.index_cast %scan3A_318 : i32 to index
      %get3A_384 = arith.constant 64 : index
      %get3A_385 = tpu.vector_load %arg11[%get3A_383, %get3A_384] {strides = array<i32>} : memref<64x128xf32, #tpu.memory_space<vmem>>, vector<1x16xf32>,
      %get3A_386 = vector.shape_cast %get3A_385 : vector<1x16xf32> to vector<16xf32>
      %sub3A_387 = arith.subf %get3A_382, %get3A_386 : vector<16xf32>
      %mul3A_388 = arith.mulf %sub3A_387, %sub3A_387 : vector<16xf32>
      %add3A_389 = arith.addf %scan3A_323, %mul3A_388 : vector<16xf32>
      %add3A_390 = arith.constant 192 : i32
      %add3A_391 = arith.addi %add3A_390, %scan3A_318 : i32
      %get3A_392 = arith.index_cast %add3A_391 : i32 to index
      %get3A_393 = arith.constant 80 : index
      %get3A_394 = tpu.vector_load %arg7[%get3A_392, %get3A_393] {strides = array<i32>} : memref<512x128xf32, #tpu.memory_space<vmem>>, vector<1x16xf32>,
      %get3A_395 = vector.shape_cast %get3A_394 : vector<1x16xf32> to vector<16xf32>
      %get3A_396 = arith.index_cast %scan3A_318 : i32 to index
      %get3A_397 = arith.constant 80 : index
      %get3A_398 = tpu.vector_load %arg11[%get3A_396, %get3A_397] {strides = array<i32>} : memref<64x128xf32, #tpu.memory_space<vmem>>, vector<1x16xf32>,
      %get3A_399 = vector.shape_cast %get3A_398 : vector<1x16xf32> to vector<16xf32>
      %sub3A_400 = arith.subf %get3A_395, %get3A_399 : vector<16xf32>
      %mul3A_401 = arith.mulf %sub3A_400, %sub3A_400 : vector<16xf32>
      %add3A_402 = arith.addf %scan3A_324, %mul3A_401 : vector<16xf32>
      %add3A_403 = arith.constant 192 : i32
      %add3A_404 = arith.addi %add3A_403, %scan3A_318 : i32
      %get3A_405 = arith.index_cast %add3A_404 : i32 to index
      %get3A_406 = arith.constant 96 : index
      %get3A_407 = tpu.vector_load %arg7[%get3A_405, %get3A_406] {strides = array<i32>} : memref<512x128xf32, #tpu.memory_space<vmem>>, vector<1x16xf32>,
      %get3A_408 = vector.shape_cast %get3A_407 : vector<1x16xf32> to vector<16xf32>
      %get3A_409 = arith.index_cast %scan3A_318 : i32 to index
      %get3A_410 = arith.constant 96 : index
      %get3A_411 = tpu.vector_load %arg11[%get3A_409, %get3A_410] {strides = array<i32>} : memref<64x128xf32, #tpu.memory_space<vmem>>, vector<1x16xf32>,
      %get3A_412 = vector.shape_cast %get3A_411 : vector<1x16xf32> to vector<16xf32>
      %sub3A_413 = arith.subf %get3A_408, %get3A_412 : vector<16xf32>
      %mul3A_414 = arith.mulf %sub3A_413, %sub3A_413 : vector<16xf32>
      %add3A_415 = arith.addf %scan3A_325, %mul3A_414 : vector<16xf32>
      %add3A_416 = arith.constant 192 : i32
      %add3A_417 = arith.addi %add3A_416, %scan3A_318 : i32
      %get3A_418 = arith.index_cast %add3A_417 : i32 to index
      %get3A_419 = arith.constant 112 : index
      %get3A_420 = tpu.vector_load %arg7[%get3A_418, %get3A_419] {strides = array<i32>} : memref<512x128xf32, #tpu.memory_space<vmem>>, vector<1x16xf32>,
      %get3A_421 = vector.shape_cast %get3A_420 : vector<1x16xf32> to vector<16xf32>
      %get3A_422 = arith.index_cast %scan3A_318 : i32 to index
      %get3A_423 = arith.constant 112 : index
      %get3A_424 = tpu.vector_load %arg11[%get3A_422, %get3A_423] {strides = array<i32>} : memref<64x128xf32, #tpu.memory_space<vmem>>, vector<1x16xf32>,
      %get3A_425 = vector.shape_cast %get3A_424 : vector<1x16xf32> to vector<16xf32>
      %sub3A_426 = arith.subf %get3A_421, %get3A_425 : vector<16xf32>
      %mul3A_427 = arith.mulf %sub3A_426, %sub3A_426 : vector<16xf32>
      %add3A_428 = arith.addf %scan3A_326, %mul3A_427 : vector<16xf32>
      scf.yield %add3A_337, %add3A_350, %add3A_363, %add3A_376, %add3A_389, %add3A_402, %add3A_415, %add3A_428 : vector<16xf32>, vector<16xf32>, vector<16xf32>, vector<16xf32>, vector<16xf32>, vector<16xf32>, vector<16xf32>, vector<16xf32>
    }
    %scan3A_215 = arith.constant 64 : i32
    %dma_start3A_216 = arith.constant 448 : i32
    %dma_start3A_217 = tpu.memref_slice %arg6[%dma_start3A_216] : memref<512xi32, #tpu.memory_space<vmem>> -> memref<64xi32, #tpu.memory_space<vmem>>
    %dma_start3A_218 = arith.constant 0 : i32
    %dma_start3A_219 = arith.constant 0 : i32
    %dma_start3A_220 = tpu.memref_slice %arg4[%dma_start3A_218, %dma_start3A_219] : memref<100000x128xf32, #tpu.memory_space<hbm>> -> memref<100000x128xf32, #tpu.memory_space<hbm>>
    tpu.enqueue_indirect_dma source(%dma_start3A_220 : memref<100000x128xf32, #tpu.memory_space<hbm>>) target(%arg11 : memref<64x128xf32, #tpu.memory_space<vmem>>) offsets(%dma_start3A_217 : memref<64xi32, #tpu.memory_space<vmem>>) semaphore(%arg13 : memref<!tpu.dma_semaphore, #tpu.memory_space<semaphore_mem>>)
    %dma_wait3A_221 = arith.constant 256 : i32
    %dma_wait3A_222 = tpu.memref_slice %arg6[%dma_wait3A_221] : memref<512xi32, #tpu.memory_space<vmem>> -> memref<64xi32, #tpu.memory_space<vmem>>
    %dma_wait3A_223 = arith.constant 0 : i32
    %dma_wait3A_224 = arith.constant 0 : i32
    %dma_wait3A_225 = tpu.memref_slice %arg4[%dma_wait3A_223, %dma_wait3A_224] : memref<100000x128xf32, #tpu.memory_space<hbm>> -> memref<100000x128xf32, #tpu.memory_space<hbm>>
    tpu.wait_indirect_dma semaphore(%arg13 : memref<!tpu.dma_semaphore, #tpu.memory_space<semaphore_mem>>) src(%dma_wait3A_225 : memref<100000x128xf32, #tpu.memory_space<hbm>>) dst(%arg8 : memref<64x128xf32, #tpu.memory_space<vmem>>)
    %dma_wait3A_226 = arith.constant 256 : i32
    %dma_wait3A_227 = arith.constant 0 : i32
    %dma_wait3A_228 = tpu.memref_slice %arg7[%dma_wait3A_226, %dma_wait3A_227] : memref<512x128xf32, #tpu.memory_space<vmem>> -> memref<64x128xf32, #tpu.memory_space<vmem>>
    %dma_wait3A_229 = arith.constant 0 : i32
    %dma_wait3A_230 = tpu.memref_slice %arg2[%add3A_51, %dma_wait3A_229] : memref<16384x128xf32, #tpu.memory_space<hbm>> -> memref<64x128xf32, #tpu.memory_space<hbm>>
    %dma_wait3A_231 = arith.constant 256 : i32
    %dma_wait3A_232 = arith.constant 0 : i32
    %dma_wait3A_233 = tpu.memref_slice %arg7[%dma_wait3A_231, %dma_wait3A_232] : memref<512x128xf32, #tpu.memory_space<vmem>> -> memref<64x128xf32, #tpu.memory_space<vmem>>
    %dma_wait3A_234 = arith.constant 0 : i32
    %dma_wait3A_235 = tpu.memref_slice %arg2[%add3A_51, %dma_wait3A_234] : memref<16384x128xf32, #tpu.memory_space<hbm>> -> memref<64x128xf32, #tpu.memory_space<hbm>>
    tpu.wait_dma2 semaphore(%arg14 : memref<!tpu.dma_semaphore, #tpu.memory_space<semaphore_mem>>) src(%dma_wait3A_235 : memref<64x128xf32, #tpu.memory_space<hbm>>) dst(%dma_wait3A_233 : memref<64x128xf32, #tpu.memory_space<vmem>>)
    %scan3A_236 = arith.constant 0 : i32
    %scan3A_237 = arith.constant 64 : i32
    %scan3A_238 = arith.addi %scan3A_236, %scan3A_237 : i32
    %scan3A_239 = arith.constant 1 : i32
    %scan3A_240:8 = scf.for %scan3A_318 = %scan3A_236 to %scan3A_238 step %scan3A_239 iter_args(%scan3A_319 = %scan3A_214#0, %scan3A_320 = %scan3A_214#1, %scan3A_321 = %scan3A_214#2, %scan3A_322 = %scan3A_214#3, %scan3A_323 = %scan3A_214#4, %scan3A_324 = %scan3A_214#5, %scan3A_325 = %scan3A_214#6, %scan3A_326 = %scan3A_214#7) -> (vector<16xf32>, vector<16xf32>, vector<16xf32>, vector<16xf32>, vector<16xf32>, vector<16xf32>, vector<16xf32>, vector<16xf32>)  : i32 {
      %add3A_327 = arith.constant 256 : i32
      %add3A_328 = arith.addi %add3A_327, %scan3A_318 : i32
      %get3A = arith.index_cast %add3A_328 : i32 to index
      %get3A_329 = arith.constant 0 : index
      %get3A_330 = tpu.vector_load %arg7[%get3A, %get3A_329] {strides = array<i32>} : memref<512x128xf32, #tpu.memory_space<vmem>>, vector<1x16xf32>,
      %get3A_331 = vector.shape_cast %get3A_330 : vector<1x16xf32> to vector<16xf32>
      %get3A_332 = arith.index_cast %scan3A_318 : i32 to index
      %get3A_333 = arith.constant 0 : index
      %get3A_334 = tpu.vector_load %arg8[%get3A_332, %get3A_333] {strides = array<i32>} : memref<64x128xf32, #tpu.memory_space<vmem>>, vector<1x16xf32>,
      %get3A_335 = vector.shape_cast %get3A_334 : vector<1x16xf32> to vector<16xf32>
      %sub3A = arith.subf %get3A_331, %get3A_335 : vector<16xf32>
      %mul3A_336 = arith.mulf %sub3A, %sub3A : vector<16xf32>
      %add3A_337 = arith.addf %scan3A_319, %mul3A_336 : vector<16xf32>
      %add3A_338 = arith.constant 256 : i32
      %add3A_339 = arith.addi %add3A_338, %scan3A_318 : i32
      %get3A_340 = arith.index_cast %add3A_339 : i32 to index
      %get3A_341 = arith.constant 16 : index
      %get3A_342 = tpu.vector_load %arg7[%get3A_340, %get3A_341] {strides = array<i32>} : memref<512x128xf32, #tpu.memory_space<vmem>>, vector<1x16xf32>,
      %get3A_343 = vector.shape_cast %get3A_342 : vector<1x16xf32> to vector<16xf32>
      %get3A_344 = arith.index_cast %scan3A_318 : i32 to index
      %get3A_345 = arith.constant 16 : index
      %get3A_346 = tpu.vector_load %arg8[%get3A_344, %get3A_345] {strides = array<i32>} : memref<64x128xf32, #tpu.memory_space<vmem>>, vector<1x16xf32>,
      %get3A_347 = vector.shape_cast %get3A_346 : vector<1x16xf32> to vector<16xf32>
      %sub3A_348 = arith.subf %get3A_343, %get3A_347 : vector<16xf32>
      %mul3A_349 = arith.mulf %sub3A_348, %sub3A_348 : vector<16xf32>
      %add3A_350 = arith.addf %scan3A_320, %mul3A_349 : vector<16xf32>
      %add3A_351 = arith.constant 256 : i32
      %add3A_352 = arith.addi %add3A_351, %scan3A_318 : i32
      %get3A_353 = arith.index_cast %add3A_352 : i32 to index
      %get3A_354 = arith.constant 32 : index
      %get3A_355 = tpu.vector_load %arg7[%get3A_353, %get3A_354] {strides = array<i32>} : memref<512x128xf32, #tpu.memory_space<vmem>>, vector<1x16xf32>,
      %get3A_356 = vector.shape_cast %get3A_355 : vector<1x16xf32> to vector<16xf32>
      %get3A_357 = arith.index_cast %scan3A_318 : i32 to index
      %get3A_358 = arith.constant 32 : index
      %get3A_359 = tpu.vector_load %arg8[%get3A_357, %get3A_358] {strides = array<i32>} : memref<64x128xf32, #tpu.memory_space<vmem>>, vector<1x16xf32>,
      %get3A_360 = vector.shape_cast %get3A_359 : vector<1x16xf32> to vector<16xf32>
      %sub3A_361 = arith.subf %get3A_356, %get3A_360 : vector<16xf32>
      %mul3A_362 = arith.mulf %sub3A_361, %sub3A_361 : vector<16xf32>
      %add3A_363 = arith.addf %scan3A_321, %mul3A_362 : vector<16xf32>
      %add3A_364 = arith.constant 256 : i32
      %add3A_365 = arith.addi %add3A_364, %scan3A_318 : i32
      %get3A_366 = arith.index_cast %add3A_365 : i32 to index
      %get3A_367 = arith.constant 48 : index
      %get3A_368 = tpu.vector_load %arg7[%get3A_366, %get3A_367] {strides = array<i32>} : memref<512x128xf32, #tpu.memory_space<vmem>>, vector<1x16xf32>,
      %get3A_369 = vector.shape_cast %get3A_368 : vector<1x16xf32> to vector<16xf32>
      %get3A_370 = arith.index_cast %scan3A_318 : i32 to index
      %get3A_371 = arith.constant 48 : index
      %get3A_372 = tpu.vector_load %arg8[%get3A_370, %get3A_371] {strides = array<i32>} : memref<64x128xf32, #tpu.memory_space<vmem>>, vector<1x16xf32>,
      %get3A_373 = vector.shape_cast %get3A_372 : vector<1x16xf32> to vector<16xf32>
      %sub3A_374 = arith.subf %get3A_369, %get3A_373 : vector<16xf32>
      %mul3A_375 = arith.mulf %sub3A_374, %sub3A_374 : vector<16xf32>
      %add3A_376 = arith.addf %scan3A_322, %mul3A_375 : vector<16xf32>
      %add3A_377 = arith.constant 256 : i32
      %add3A_378 = arith.addi %add3A_377, %scan3A_318 : i32
      %get3A_379 = arith.index_cast %add3A_378 : i32 to index
      %get3A_380 = arith.constant 64 : index
      %get3A_381 = tpu.vector_load %arg7[%get3A_379, %get3A_380] {strides = array<i32>} : memref<512x128xf32, #tpu.memory_space<vmem>>, vector<1x16xf32>,
      %get3A_382 = vector.shape_cast %get3A_381 : vector<1x16xf32> to vector<16xf32>
      %get3A_383 = arith.index_cast %scan3A_318 : i32 to index
      %get3A_384 = arith.constant 64 : index
      %get3A_385 = tpu.vector_load %arg8[%get3A_383, %get3A_384] {strides = array<i32>} : memref<64x128xf32, #tpu.memory_space<vmem>>, vector<1x16xf32>,
      %get3A_386 = vector.shape_cast %get3A_385 : vector<1x16xf32> to vector<16xf32>
      %sub3A_387 = arith.subf %get3A_382, %get3A_386 : vector<16xf32>
      %mul3A_388 = arith.mulf %sub3A_387, %sub3A_387 : vector<16xf32>
      %add3A_389 = arith.addf %scan3A_323, %mul3A_388 : vector<16xf32>
      %add3A_390 = arith.constant 256 : i32
      %add3A_391 = arith.addi %add3A_390, %scan3A_318 : i32
      %get3A_392 = arith.index_cast %add3A_391 : i32 to index
      %get3A_393 = arith.constant 80 : index
      %get3A_394 = tpu.vector_load %arg7[%get3A_392, %get3A_393] {strides = array<i32>} : memref<512x128xf32, #tpu.memory_space<vmem>>, vector<1x16xf32>,
      %get3A_395 = vector.shape_cast %get3A_394 : vector<1x16xf32> to vector<16xf32>
      %get3A_396 = arith.index_cast %scan3A_318 : i32 to index
      %get3A_397 = arith.constant 80 : index
      %get3A_398 = tpu.vector_load %arg8[%get3A_396, %get3A_397] {strides = array<i32>} : memref<64x128xf32, #tpu.memory_space<vmem>>, vector<1x16xf32>,
      %get3A_399 = vector.shape_cast %get3A_398 : vector<1x16xf32> to vector<16xf32>
      %sub3A_400 = arith.subf %get3A_395, %get3A_399 : vector<16xf32>
      %mul3A_401 = arith.mulf %sub3A_400, %sub3A_400 : vector<16xf32>
      %add3A_402 = arith.addf %scan3A_324, %mul3A_401 : vector<16xf32>
      %add3A_403 = arith.constant 256 : i32
      %add3A_404 = arith.addi %add3A_403, %scan3A_318 : i32
      %get3A_405 = arith.index_cast %add3A_404 : i32 to index
      %get3A_406 = arith.constant 96 : index
      %get3A_407 = tpu.vector_load %arg7[%get3A_405, %get3A_406] {strides = array<i32>} : memref<512x128xf32, #tpu.memory_space<vmem>>, vector<1x16xf32>,
      %get3A_408 = vector.shape_cast %get3A_407 : vector<1x16xf32> to vector<16xf32>
      %get3A_409 = arith.index_cast %scan3A_318 : i32 to index
      %get3A_410 = arith.constant 96 : index
      %get3A_411 = tpu.vector_load %arg8[%get3A_409, %get3A_410] {strides = array<i32>} : memref<64x128xf32, #tpu.memory_space<vmem>>, vector<1x16xf32>,
      %get3A_412 = vector.shape_cast %get3A_411 : vector<1x16xf32> to vector<16xf32>
      %sub3A_413 = arith.subf %get3A_408, %get3A_412 : vector<16xf32>
      %mul3A_414 = arith.mulf %sub3A_413, %sub3A_413 : vector<16xf32>
      %add3A_415 = arith.addf %scan3A_325, %mul3A_414 : vector<16xf32>
      %add3A_416 = arith.constant 256 : i32
      %add3A_417 = arith.addi %add3A_416, %scan3A_318 : i32
      %get3A_418 = arith.index_cast %add3A_417 : i32 to index
      %get3A_419 = arith.constant 112 : index
      %get3A_420 = tpu.vector_load %arg7[%get3A_418, %get3A_419] {strides = array<i32>} : memref<512x128xf32, #tpu.memory_space<vmem>>, vector<1x16xf32>,
      %get3A_421 = vector.shape_cast %get3A_420 : vector<1x16xf32> to vector<16xf32>
      %get3A_422 = arith.index_cast %scan3A_318 : i32 to index
      %get3A_423 = arith.constant 112 : index
      %get3A_424 = tpu.vector_load %arg8[%get3A_422, %get3A_423] {strides = array<i32>} : memref<64x128xf32, #tpu.memory_space<vmem>>, vector<1x16xf32>,
      %get3A_425 = vector.shape_cast %get3A_424 : vector<1x16xf32> to vector<16xf32>
      %sub3A_426 = arith.subf %get3A_421, %get3A_425 : vector<16xf32>
      %mul3A_427 = arith.mulf %sub3A_426, %sub3A_426 : vector<16xf32>
      %add3A_428 = arith.addf %scan3A_326, %mul3A_427 : vector<16xf32>
      scf.yield %add3A_337, %add3A_350, %add3A_363, %add3A_376, %add3A_389, %add3A_402, %add3A_415, %add3A_428 : vector<16xf32>, vector<16xf32>, vector<16xf32>, vector<16xf32>, vector<16xf32>, vector<16xf32>, vector<16xf32>, vector<16xf32>
    }
    %scan3A_241 = arith.constant 64 : i32
    %dma_wait3A_242 = arith.constant 320 : i32
    %dma_wait3A_243 = tpu.memref_slice %arg6[%dma_wait3A_242] : memref<512xi32, #tpu.memory_space<vmem>> -> memref<64xi32, #tpu.memory_space<vmem>>
    %dma_wait3A_244 = arith.constant 0 : i32
    %dma_wait3A_245 = arith.constant 0 : i32
    %dma_wait3A_246 = tpu.memref_slice %arg4[%dma_wait3A_244, %dma_wait3A_245] : memref<100000x128xf32, #tpu.memory_space<hbm>> -> memref<100000x128xf32, #tpu.memory_space<hbm>>
    tpu.wait_indirect_dma semaphore(%arg13 : memref<!tpu.dma_semaphore, #tpu.memory_space<semaphore_mem>>) src(%dma_wait3A_246 : memref<100000x128xf32, #tpu.memory_space<hbm>>) dst(%arg9 : memref<64x128xf32, #tpu.memory_space<vmem>>)
    %dma_wait3A_247 = arith.constant 320 : i32
    %dma_wait3A_248 = arith.constant 0 : i32
    %dma_wait3A_249 = tpu.memref_slice %arg7[%dma_wait3A_247, %dma_wait3A_248] : memref<512x128xf32, #tpu.memory_space<vmem>> -> memref<64x128xf32, #tpu.memory_space<vmem>>
    %dma_wait3A_250 = arith.constant 0 : i32
    %dma_wait3A_251 = tpu.memref_slice %arg2[%add3A_63, %dma_wait3A_250] : memref<16384x128xf32, #tpu.memory_space<hbm>> -> memref<64x128xf32, #tpu.memory_space<hbm>>
    %dma_wait3A_252 = arith.constant 320 : i32
    %dma_wait3A_253 = arith.constant 0 : i32
    %dma_wait3A_254 = tpu.memref_slice %arg7[%dma_wait3A_252, %dma_wait3A_253] : memref<512x128xf32, #tpu.memory_space<vmem>> -> memref<64x128xf32, #tpu.memory_space<vmem>>
    %dma_wait3A_255 = arith.constant 0 : i32
    %dma_wait3A_256 = tpu.memref_slice %arg2[%add3A_63, %dma_wait3A_255] : memref<16384x128xf32, #tpu.memory_space<hbm>> -> memref<64x128xf32, #tpu.memory_space<hbm>>
    tpu.wait_dma2 semaphore(%arg14 : memref<!tpu.dma_semaphore, #tpu.memory_space<semaphore_mem>>) src(%dma_wait3A_256 : memref<64x128xf32, #tpu.memory_space<hbm>>) dst(%dma_wait3A_254 : memref<64x128xf32, #tpu.memory_space<vmem>>)
    %scan3A_257 = arith.constant 0 : i32
    %scan3A_258 = arith.constant 64 : i32
    %scan3A_259 = arith.addi %scan3A_257, %scan3A_258 : i32
    %scan3A_260 = arith.constant 1 : i32
    %scan3A_261:8 = scf.for %scan3A_318 = %scan3A_257 to %scan3A_259 step %scan3A_260 iter_args(%scan3A_319 = %scan3A_240#0, %scan3A_320 = %scan3A_240#1, %scan3A_321 = %scan3A_240#2, %scan3A_322 = %scan3A_240#3, %scan3A_323 = %scan3A_240#4, %scan3A_324 = %scan3A_240#5, %scan3A_325 = %scan3A_240#6, %scan3A_326 = %scan3A_240#7) -> (vector<16xf32>, vector<16xf32>, vector<16xf32>, vector<16xf32>, vector<16xf32>, vector<16xf32>, vector<16xf32>, vector<16xf32>)  : i32 {
      %add3A_327 = arith.constant 320 : i32
      %add3A_328 = arith.addi %add3A_327, %scan3A_318 : i32
      %get3A = arith.index_cast %add3A_328 : i32 to index
      %get3A_329 = arith.constant 0 : index
      %get3A_330 = tpu.vector_load %arg7[%get3A, %get3A_329] {strides = array<i32>} : memref<512x128xf32, #tpu.memory_space<vmem>>, vector<1x16xf32>,
      %get3A_331 = vector.shape_cast %get3A_330 : vector<1x16xf32> to vector<16xf32>
      %get3A_332 = arith.index_cast %scan3A_318 : i32 to index
      %get3A_333 = arith.constant 0 : index
      %get3A_334 = tpu.vector_load %arg9[%get3A_332, %get3A_333] {strides = array<i32>} : memref<64x128xf32, #tpu.memory_space<vmem>>, vector<1x16xf32>,
      %get3A_335 = vector.shape_cast %get3A_334 : vector<1x16xf32> to vector<16xf32>
      %sub3A = arith.subf %get3A_331, %get3A_335 : vector<16xf32>
      %mul3A_336 = arith.mulf %sub3A, %sub3A : vector<16xf32>
      %add3A_337 = arith.addf %scan3A_319, %mul3A_336 : vector<16xf32>
      %add3A_338 = arith.constant 320 : i32
      %add3A_339 = arith.addi %add3A_338, %scan3A_318 : i32
      %get3A_340 = arith.index_cast %add3A_339 : i32 to index
      %get3A_341 = arith.constant 16 : index
      %get3A_342 = tpu.vector_load %arg7[%get3A_340, %get3A_341] {strides = array<i32>} : memref<512x128xf32, #tpu.memory_space<vmem>>, vector<1x16xf32>,
      %get3A_343 = vector.shape_cast %get3A_342 : vector<1x16xf32> to vector<16xf32>
      %get3A_344 = arith.index_cast %scan3A_318 : i32 to index
      %get3A_345 = arith.constant 16 : index
      %get3A_346 = tpu.vector_load %arg9[%get3A_344, %get3A_345] {strides = array<i32>} : memref<64x128xf32, #tpu.memory_space<vmem>>, vector<1x16xf32>,
      %get3A_347 = vector.shape_cast %get3A_346 : vector<1x16xf32> to vector<16xf32>
      %sub3A_348 = arith.subf %get3A_343, %get3A_347 : vector<16xf32>
      %mul3A_349 = arith.mulf %sub3A_348, %sub3A_348 : vector<16xf32>
      %add3A_350 = arith.addf %scan3A_320, %mul3A_349 : vector<16xf32>
      %add3A_351 = arith.constant 320 : i32
      %add3A_352 = arith.addi %add3A_351, %scan3A_318 : i32
      %get3A_353 = arith.index_cast %add3A_352 : i32 to index
      %get3A_354 = arith.constant 32 : index
      %get3A_355 = tpu.vector_load %arg7[%get3A_353, %get3A_354] {strides = array<i32>} : memref<512x128xf32, #tpu.memory_space<vmem>>, vector<1x16xf32>,
      %get3A_356 = vector.shape_cast %get3A_355 : vector<1x16xf32> to vector<16xf32>
      %get3A_357 = arith.index_cast %scan3A_318 : i32 to index
      %get3A_358 = arith.constant 32 : index
      %get3A_359 = tpu.vector_load %arg9[%get3A_357, %get3A_358] {strides = array<i32>} : memref<64x128xf32, #tpu.memory_space<vmem>>, vector<1x16xf32>,
      %get3A_360 = vector.shape_cast %get3A_359 : vector<1x16xf32> to vector<16xf32>
      %sub3A_361 = arith.subf %get3A_356, %get3A_360 : vector<16xf32>
      %mul3A_362 = arith.mulf %sub3A_361, %sub3A_361 : vector<16xf32>
      %add3A_363 = arith.addf %scan3A_321, %mul3A_362 : vector<16xf32>
      %add3A_364 = arith.constant 320 : i32
      %add3A_365 = arith.addi %add3A_364, %scan3A_318 : i32
      %get3A_366 = arith.index_cast %add3A_365 : i32 to index
      %get3A_367 = arith.constant 48 : index
      %get3A_368 = tpu.vector_load %arg7[%get3A_366, %get3A_367] {strides = array<i32>} : memref<512x128xf32, #tpu.memory_space<vmem>>, vector<1x16xf32>,
      %get3A_369 = vector.shape_cast %get3A_368 : vector<1x16xf32> to vector<16xf32>
      %get3A_370 = arith.index_cast %scan3A_318 : i32 to index
      %get3A_371 = arith.constant 48 : index
      %get3A_372 = tpu.vector_load %arg9[%get3A_370, %get3A_371] {strides = array<i32>} : memref<64x128xf32, #tpu.memory_space<vmem>>, vector<1x16xf32>,
      %get3A_373 = vector.shape_cast %get3A_372 : vector<1x16xf32> to vector<16xf32>
      %sub3A_374 = arith.subf %get3A_369, %get3A_373 : vector<16xf32>
      %mul3A_375 = arith.mulf %sub3A_374, %sub3A_374 : vector<16xf32>
      %add3A_376 = arith.addf %scan3A_322, %mul3A_375 : vector<16xf32>
      %add3A_377 = arith.constant 320 : i32
      %add3A_378 = arith.addi %add3A_377, %scan3A_318 : i32
      %get3A_379 = arith.index_cast %add3A_378 : i32 to index
      %get3A_380 = arith.constant 64 : index
      %get3A_381 = tpu.vector_load %arg7[%get3A_379, %get3A_380] {strides = array<i32>} : memref<512x128xf32, #tpu.memory_space<vmem>>, vector<1x16xf32>,
      %get3A_382 = vector.shape_cast %get3A_381 : vector<1x16xf32> to vector<16xf32>
      %get3A_383 = arith.index_cast %scan3A_318 : i32 to index
      %get3A_384 = arith.constant 64 : index
      %get3A_385 = tpu.vector_load %arg9[%get3A_383, %get3A_384] {strides = array<i32>} : memref<64x128xf32, #tpu.memory_space<vmem>>, vector<1x16xf32>,
      %get3A_386 = vector.shape_cast %get3A_385 : vector<1x16xf32> to vector<16xf32>
      %sub3A_387 = arith.subf %get3A_382, %get3A_386 : vector<16xf32>
      %mul3A_388 = arith.mulf %sub3A_387, %sub3A_387 : vector<16xf32>
      %add3A_389 = arith.addf %scan3A_323, %mul3A_388 : vector<16xf32>
      %add3A_390 = arith.constant 320 : i32
      %add3A_391 = arith.addi %add3A_390, %scan3A_318 : i32
      %get3A_392 = arith.index_cast %add3A_391 : i32 to index
      %get3A_393 = arith.constant 80 : index
      %get3A_394 = tpu.vector_load %arg7[%get3A_392, %get3A_393] {strides = array<i32>} : memref<512x128xf32, #tpu.memory_space<vmem>>, vector<1x16xf32>,
      %get3A_395 = vector.shape_cast %get3A_394 : vector<1x16xf32> to vector<16xf32>
      %get3A_396 = arith.index_cast %scan3A_318 : i32 to index
      %get3A_397 = arith.constant 80 : index
      %get3A_398 = tpu.vector_load %arg9[%get3A_396, %get3A_397] {strides = array<i32>} : memref<64x128xf32, #tpu.memory_space<vmem>>, vector<1x16xf32>,
      %get3A_399 = vector.shape_cast %get3A_398 : vector<1x16xf32> to vector<16xf32>
      %sub3A_400 = arith.subf %get3A_395, %get3A_399 : vector<16xf32>
      %mul3A_401 = arith.mulf %sub3A_400, %sub3A_400 : vector<16xf32>
      %add3A_402 = arith.addf %scan3A_324, %mul3A_401 : vector<16xf32>
      %add3A_403 = arith.constant 320 : i32
      %add3A_404 = arith.addi %add3A_403, %scan3A_318 : i32
      %get3A_405 = arith.index_cast %add3A_404 : i32 to index
      %get3A_406 = arith.constant 96 : index
      %get3A_407 = tpu.vector_load %arg7[%get3A_405, %get3A_406] {strides = array<i32>} : memref<512x128xf32, #tpu.memory_space<vmem>>, vector<1x16xf32>,
      %get3A_408 = vector.shape_cast %get3A_407 : vector<1x16xf32> to vector<16xf32>
      %get3A_409 = arith.index_cast %scan3A_318 : i32 to index
      %get3A_410 = arith.constant 96 : index
      %get3A_411 = tpu.vector_load %arg9[%get3A_409, %get3A_410] {strides = array<i32>} : memref<64x128xf32, #tpu.memory_space<vmem>>, vector<1x16xf32>,
      %get3A_412 = vector.shape_cast %get3A_411 : vector<1x16xf32> to vector<16xf32>
      %sub3A_413 = arith.subf %get3A_408, %get3A_412 : vector<16xf32>
      %mul3A_414 = arith.mulf %sub3A_413, %sub3A_413 : vector<16xf32>
      %add3A_415 = arith.addf %scan3A_325, %mul3A_414 : vector<16xf32>
      %add3A_416 = arith.constant 320 : i32
      %add3A_417 = arith.addi %add3A_416, %scan3A_318 : i32
      %get3A_418 = arith.index_cast %add3A_417 : i32 to index
      %get3A_419 = arith.constant 112 : index
      %get3A_420 = tpu.vector_load %arg7[%get3A_418, %get3A_419] {strides = array<i32>} : memref<512x128xf32, #tpu.memory_space<vmem>>, vector<1x16xf32>,
      %get3A_421 = vector.shape_cast %get3A_420 : vector<1x16xf32> to vector<16xf32>
      %get3A_422 = arith.index_cast %scan3A_318 : i32 to index
      %get3A_423 = arith.constant 112 : index
      %get3A_424 = tpu.vector_load %arg9[%get3A_422, %get3A_423] {strides = array<i32>} : memref<64x128xf32, #tpu.memory_space<vmem>>, vector<1x16xf32>,
      %get3A_425 = vector.shape_cast %get3A_424 : vector<1x16xf32> to vector<16xf32>
      %sub3A_426 = arith.subf %get3A_421, %get3A_425 : vector<16xf32>
      %mul3A_427 = arith.mulf %sub3A_426, %sub3A_426 : vector<16xf32>
      %add3A_428 = arith.addf %scan3A_326, %mul3A_427 : vector<16xf32>
      scf.yield %add3A_337, %add3A_350, %add3A_363, %add3A_376, %add3A_389, %add3A_402, %add3A_415, %add3A_428 : vector<16xf32>, vector<16xf32>, vector<16xf32>, vector<16xf32>, vector<16xf32>, vector<16xf32>, vector<16xf32>, vector<16xf32>
    }
    %scan3A_262 = arith.constant 64 : i32
    %dma_wait3A_263 = arith.constant 384 : i32
    %dma_wait3A_264 = tpu.memref_slice %arg6[%dma_wait3A_263] : memref<512xi32, #tpu.memory_space<vmem>> -> memref<64xi32, #tpu.memory_space<vmem>>
    %dma_wait3A_265 = arith.constant 0 : i32
    %dma_wait3A_266 = arith.constant 0 : i32
    %dma_wait3A_267 = tpu.memref_slice %arg4[%dma_wait3A_265, %dma_wait3A_266] : memref<100000x128xf32, #tpu.memory_space<hbm>> -> memref<100000x128xf32, #tpu.memory_space<hbm>>
    tpu.wait_indirect_dma semaphore(%arg13 : memref<!tpu.dma_semaphore, #tpu.memory_space<semaphore_mem>>) src(%dma_wait3A_267 : memref<100000x128xf32, #tpu.memory_space<hbm>>) dst(%arg10 : memref<64x128xf32, #tpu.memory_space<vmem>>)
    %dma_wait3A_268 = arith.constant 384 : i32
    %dma_wait3A_269 = arith.constant 0 : i32
    %dma_wait3A_270 = tpu.memref_slice %arg7[%dma_wait3A_268, %dma_wait3A_269] : memref<512x128xf32, #tpu.memory_space<vmem>> -> memref<64x128xf32, #tpu.memory_space<vmem>>
    %dma_wait3A_271 = arith.constant 0 : i32
    %dma_wait3A_272 = tpu.memref_slice %arg2[%add3A_75, %dma_wait3A_271] : memref<16384x128xf32, #tpu.memory_space<hbm>> -> memref<64x128xf32, #tpu.memory_space<hbm>>
    %dma_wait3A_273 = arith.constant 384 : i32
    %dma_wait3A_274 = arith.constant 0 : i32
    %dma_wait3A_275 = tpu.memref_slice %arg7[%dma_wait3A_273, %dma_wait3A_274] : memref<512x128xf32, #tpu.memory_space<vmem>> -> memref<64x128xf32, #tpu.memory_space<vmem>>
    %dma_wait3A_276 = arith.constant 0 : i32
    %dma_wait3A_277 = tpu.memref_slice %arg2[%add3A_75, %dma_wait3A_276] : memref<16384x128xf32, #tpu.memory_space<hbm>> -> memref<64x128xf32, #tpu.memory_space<hbm>>
    tpu.wait_dma2 semaphore(%arg14 : memref<!tpu.dma_semaphore, #tpu.memory_space<semaphore_mem>>) src(%dma_wait3A_277 : memref<64x128xf32, #tpu.memory_space<hbm>>) dst(%dma_wait3A_275 : memref<64x128xf32, #tpu.memory_space<vmem>>)
    %scan3A_278 = arith.constant 0 : i32
    %scan3A_279 = arith.constant 64 : i32
    %scan3A_280 = arith.addi %scan3A_278, %scan3A_279 : i32
    %scan3A_281 = arith.constant 1 : i32
    %scan3A_282:8 = scf.for %scan3A_318 = %scan3A_278 to %scan3A_280 step %scan3A_281 iter_args(%scan3A_319 = %scan3A_261#0, %scan3A_320 = %scan3A_261#1, %scan3A_321 = %scan3A_261#2, %scan3A_322 = %scan3A_261#3, %scan3A_323 = %scan3A_261#4, %scan3A_324 = %scan3A_261#5, %scan3A_325 = %scan3A_261#6, %scan3A_326 = %scan3A_261#7) -> (vector<16xf32>, vector<16xf32>, vector<16xf32>, vector<16xf32>, vector<16xf32>, vector<16xf32>, vector<16xf32>, vector<16xf32>)  : i32 {
      %add3A_327 = arith.constant 384 : i32
      %add3A_328 = arith.addi %add3A_327, %scan3A_318 : i32
      %get3A = arith.index_cast %add3A_328 : i32 to index
      %get3A_329 = arith.constant 0 : index
      %get3A_330 = tpu.vector_load %arg7[%get3A, %get3A_329] {strides = array<i32>} : memref<512x128xf32, #tpu.memory_space<vmem>>, vector<1x16xf32>,
      %get3A_331 = vector.shape_cast %get3A_330 : vector<1x16xf32> to vector<16xf32>
      %get3A_332 = arith.index_cast %scan3A_318 : i32 to index
      %get3A_333 = arith.constant 0 : index
      %get3A_334 = tpu.vector_load %arg10[%get3A_332, %get3A_333] {strides = array<i32>} : memref<64x128xf32, #tpu.memory_space<vmem>>, vector<1x16xf32>,
      %get3A_335 = vector.shape_cast %get3A_334 : vector<1x16xf32> to vector<16xf32>
      %sub3A = arith.subf %get3A_331, %get3A_335 : vector<16xf32>
      %mul3A_336 = arith.mulf %sub3A, %sub3A : vector<16xf32>
      %add3A_337 = arith.addf %scan3A_319, %mul3A_336 : vector<16xf32>
      %add3A_338 = arith.constant 384 : i32
      %add3A_339 = arith.addi %add3A_338, %scan3A_318 : i32
      %get3A_340 = arith.index_cast %add3A_339 : i32 to index
      %get3A_341 = arith.constant 16 : index
      %get3A_342 = tpu.vector_load %arg7[%get3A_340, %get3A_341] {strides = array<i32>} : memref<512x128xf32, #tpu.memory_space<vmem>>, vector<1x16xf32>,
      %get3A_343 = vector.shape_cast %get3A_342 : vector<1x16xf32> to vector<16xf32>
      %get3A_344 = arith.index_cast %scan3A_318 : i32 to index
      %get3A_345 = arith.constant 16 : index
      %get3A_346 = tpu.vector_load %arg10[%get3A_344, %get3A_345] {strides = array<i32>} : memref<64x128xf32, #tpu.memory_space<vmem>>, vector<1x16xf32>,
      %get3A_347 = vector.shape_cast %get3A_346 : vector<1x16xf32> to vector<16xf32>
      %sub3A_348 = arith.subf %get3A_343, %get3A_347 : vector<16xf32>
      %mul3A_349 = arith.mulf %sub3A_348, %sub3A_348 : vector<16xf32>
      %add3A_350 = arith.addf %scan3A_320, %mul3A_349 : vector<16xf32>
      %add3A_351 = arith.constant 384 : i32
      %add3A_352 = arith.addi %add3A_351, %scan3A_318 : i32
      %get3A_353 = arith.index_cast %add3A_352 : i32 to index
      %get3A_354 = arith.constant 32 : index
      %get3A_355 = tpu.vector_load %arg7[%get3A_353, %get3A_354] {strides = array<i32>} : memref<512x128xf32, #tpu.memory_space<vmem>>, vector<1x16xf32>,
      %get3A_356 = vector.shape_cast %get3A_355 : vector<1x16xf32> to vector<16xf32>
      %get3A_357 = arith.index_cast %scan3A_318 : i32 to index
      %get3A_358 = arith.constant 32 : index
      %get3A_359 = tpu.vector_load %arg10[%get3A_357, %get3A_358] {strides = array<i32>} : memref<64x128xf32, #tpu.memory_space<vmem>>, vector<1x16xf32>,
      %get3A_360 = vector.shape_cast %get3A_359 : vector<1x16xf32> to vector<16xf32>
      %sub3A_361 = arith.subf %get3A_356, %get3A_360 : vector<16xf32>
      %mul3A_362 = arith.mulf %sub3A_361, %sub3A_361 : vector<16xf32>
      %add3A_363 = arith.addf %scan3A_321, %mul3A_362 : vector<16xf32>
      %add3A_364 = arith.constant 384 : i32
      %add3A_365 = arith.addi %add3A_364, %scan3A_318 : i32
      %get3A_366 = arith.index_cast %add3A_365 : i32 to index
      %get3A_367 = arith.constant 48 : index
      %get3A_368 = tpu.vector_load %arg7[%get3A_366, %get3A_367] {strides = array<i32>} : memref<512x128xf32, #tpu.memory_space<vmem>>, vector<1x16xf32>,
      %get3A_369 = vector.shape_cast %get3A_368 : vector<1x16xf32> to vector<16xf32>
      %get3A_370 = arith.index_cast %scan3A_318 : i32 to index
      %get3A_371 = arith.constant 48 : index
      %get3A_372 = tpu.vector_load %arg10[%get3A_370, %get3A_371] {strides = array<i32>} : memref<64x128xf32, #tpu.memory_space<vmem>>, vector<1x16xf32>,
      %get3A_373 = vector.shape_cast %get3A_372 : vector<1x16xf32> to vector<16xf32>
      %sub3A_374 = arith.subf %get3A_369, %get3A_373 : vector<16xf32>
      %mul3A_375 = arith.mulf %sub3A_374, %sub3A_374 : vector<16xf32>
      %add3A_376 = arith.addf %scan3A_322, %mul3A_375 : vector<16xf32>
      %add3A_377 = arith.constant 384 : i32
      %add3A_378 = arith.addi %add3A_377, %scan3A_318 : i32
      %get3A_379 = arith.index_cast %add3A_378 : i32 to index
      %get3A_380 = arith.constant 64 : index
      %get3A_381 = tpu.vector_load %arg7[%get3A_379, %get3A_380] {strides = array<i32>} : memref<512x128xf32, #tpu.memory_space<vmem>>, vector<1x16xf32>,
      %get3A_382 = vector.shape_cast %get3A_381 : vector<1x16xf32> to vector<16xf32>
      %get3A_383 = arith.index_cast %scan3A_318 : i32 to index
      %get3A_384 = arith.constant 64 : index
      %get3A_385 = tpu.vector_load %arg10[%get3A_383, %get3A_384] {strides = array<i32>} : memref<64x128xf32, #tpu.memory_space<vmem>>, vector<1x16xf32>,
      %get3A_386 = vector.shape_cast %get3A_385 : vector<1x16xf32> to vector<16xf32>
      %sub3A_387 = arith.subf %get3A_382, %get3A_386 : vector<16xf32>
      %mul3A_388 = arith.mulf %sub3A_387, %sub3A_387 : vector<16xf32>
      %add3A_389 = arith.addf %scan3A_323, %mul3A_388 : vector<16xf32>
      %add3A_390 = arith.constant 384 : i32
      %add3A_391 = arith.addi %add3A_390, %scan3A_318 : i32
      %get3A_392 = arith.index_cast %add3A_391 : i32 to index
      %get3A_393 = arith.constant 80 : index
      %get3A_394 = tpu.vector_load %arg7[%get3A_392, %get3A_393] {strides = array<i32>} : memref<512x128xf32, #tpu.memory_space<vmem>>, vector<1x16xf32>,
      %get3A_395 = vector.shape_cast %get3A_394 : vector<1x16xf32> to vector<16xf32>
      %get3A_396 = arith.index_cast %scan3A_318 : i32 to index
      %get3A_397 = arith.constant 80 : index
      %get3A_398 = tpu.vector_load %arg10[%get3A_396, %get3A_397] {strides = array<i32>} : memref<64x128xf32, #tpu.memory_space<vmem>>, vector<1x16xf32>,
      %get3A_399 = vector.shape_cast %get3A_398 : vector<1x16xf32> to vector<16xf32>
      %sub3A_400 = arith.subf %get3A_395, %get3A_399 : vector<16xf32>
      %mul3A_401 = arith.mulf %sub3A_400, %sub3A_400 : vector<16xf32>
      %add3A_402 = arith.addf %scan3A_324, %mul3A_401 : vector<16xf32>
      %add3A_403 = arith.constant 384 : i32
      %add3A_404 = arith.addi %add3A_403, %scan3A_318 : i32
      %get3A_405 = arith.index_cast %add3A_404 : i32 to index
      %get3A_406 = arith.constant 96 : index
      %get3A_407 = tpu.vector_load %arg7[%get3A_405, %get3A_406] {strides = array<i32>} : memref<512x128xf32, #tpu.memory_space<vmem>>, vector<1x16xf32>,
      %get3A_408 = vector.shape_cast %get3A_407 : vector<1x16xf32> to vector<16xf32>
      %get3A_409 = arith.index_cast %scan3A_318 : i32 to index
      %get3A_410 = arith.constant 96 : index
      %get3A_411 = tpu.vector_load %arg10[%get3A_409, %get3A_410] {strides = array<i32>} : memref<64x128xf32, #tpu.memory_space<vmem>>, vector<1x16xf32>,
      %get3A_412 = vector.shape_cast %get3A_411 : vector<1x16xf32> to vector<16xf32>
      %sub3A_413 = arith.subf %get3A_408, %get3A_412 : vector<16xf32>
      %mul3A_414 = arith.mulf %sub3A_413, %sub3A_413 : vector<16xf32>
      %add3A_415 = arith.addf %scan3A_325, %mul3A_414 : vector<16xf32>
      %add3A_416 = arith.constant 384 : i32
      %add3A_417 = arith.addi %add3A_416, %scan3A_318 : i32
      %get3A_418 = arith.index_cast %add3A_417 : i32 to index
      %get3A_419 = arith.constant 112 : index
      %get3A_420 = tpu.vector_load %arg7[%get3A_418, %get3A_419] {strides = array<i32>} : memref<512x128xf32, #tpu.memory_space<vmem>>, vector<1x16xf32>,
      %get3A_421 = vector.shape_cast %get3A_420 : vector<1x16xf32> to vector<16xf32>
      %get3A_422 = arith.index_cast %scan3A_318 : i32 to index
      %get3A_423 = arith.constant 112 : index
      %get3A_424 = tpu.vector_load %arg10[%get3A_422, %get3A_423] {strides = array<i32>} : memref<64x128xf32, #tpu.memory_space<vmem>>, vector<1x16xf32>,
      %get3A_425 = vector.shape_cast %get3A_424 : vector<1x16xf32> to vector<16xf32>
      %sub3A_426 = arith.subf %get3A_421, %get3A_425 : vector<16xf32>
      %mul3A_427 = arith.mulf %sub3A_426, %sub3A_426 : vector<16xf32>
      %add3A_428 = arith.addf %scan3A_326, %mul3A_427 : vector<16xf32>
      scf.yield %add3A_337, %add3A_350, %add3A_363, %add3A_376, %add3A_389, %add3A_402, %add3A_415, %add3A_428 : vector<16xf32>, vector<16xf32>, vector<16xf32>, vector<16xf32>, vector<16xf32>, vector<16xf32>, vector<16xf32>, vector<16xf32>
    }
    %scan3A_283 = arith.constant 64 : i32
    %dma_wait3A_284 = arith.constant 448 : i32
    %dma_wait3A_285 = tpu.memref_slice %arg6[%dma_wait3A_284] : memref<512xi32, #tpu.memory_space<vmem>> -> memref<64xi32, #tpu.memory_space<vmem>>
    %dma_wait3A_286 = arith.constant 0 : i32
    %dma_wait3A_287 = arith.constant 0 : i32
    %dma_wait3A_288 = tpu.memref_slice %arg4[%dma_wait3A_286, %dma_wait3A_287] : memref<100000x128xf32, #tpu.memory_space<hbm>> -> memref<100000x128xf32, #tpu.memory_space<hbm>>
    tpu.wait_indirect_dma semaphore(%arg13 : memref<!tpu.dma_semaphore, #tpu.memory_space<semaphore_mem>>) src(%dma_wait3A_288 : memref<100000x128xf32, #tpu.memory_space<hbm>>) dst(%arg11 : memref<64x128xf32, #tpu.memory_space<vmem>>)
    %dma_wait3A_289 = arith.constant 448 : i32
    %dma_wait3A_290 = arith.constant 0 : i32
    %dma_wait3A_291 = tpu.memref_slice %arg7[%dma_wait3A_289, %dma_wait3A_290] : memref<512x128xf32, #tpu.memory_space<vmem>> -> memref<64x128xf32, #tpu.memory_space<vmem>>
    %dma_wait3A_292 = arith.constant 0 : i32
    %dma_wait3A_293 = tpu.memref_slice %arg2[%add3A_87, %dma_wait3A_292] : memref<16384x128xf32, #tpu.memory_space<hbm>> -> memref<64x128xf32, #tpu.memory_space<hbm>>
    %dma_wait3A_294 = arith.constant 448 : i32
    %dma_wait3A_295 = arith.constant 0 : i32
    %dma_wait3A_296 = tpu.memref_slice %arg7[%dma_wait3A_294, %dma_wait3A_295] : memref<512x128xf32, #tpu.memory_space<vmem>> -> memref<64x128xf32, #tpu.memory_space<vmem>>
    %dma_wait3A_297 = arith.constant 0 : i32
    %dma_wait3A_298 = tpu.memref_slice %arg2[%add3A_87, %dma_wait3A_297] : memref<16384x128xf32, #tpu.memory_space<hbm>> -> memref<64x128xf32, #tpu.memory_space<hbm>>
    tpu.wait_dma2 semaphore(%arg14 : memref<!tpu.dma_semaphore, #tpu.memory_space<semaphore_mem>>) src(%dma_wait3A_298 : memref<64x128xf32, #tpu.memory_space<hbm>>) dst(%dma_wait3A_296 : memref<64x128xf32, #tpu.memory_space<vmem>>)
    %scan3A_299 = arith.constant 0 : i32
    %scan3A_300 = arith.constant 64 : i32
    %scan3A_301 = arith.addi %scan3A_299, %scan3A_300 : i32
    %scan3A_302 = arith.constant 1 : i32
    %scan3A_303:8 = scf.for %scan3A_318 = %scan3A_299 to %scan3A_301 step %scan3A_302 iter_args(%scan3A_319 = %scan3A_282#0, %scan3A_320 = %scan3A_282#1, %scan3A_321 = %scan3A_282#2, %scan3A_322 = %scan3A_282#3, %scan3A_323 = %scan3A_282#4, %scan3A_324 = %scan3A_282#5, %scan3A_325 = %scan3A_282#6, %scan3A_326 = %scan3A_282#7) -> (vector<16xf32>, vector<16xf32>, vector<16xf32>, vector<16xf32>, vector<16xf32>, vector<16xf32>, vector<16xf32>, vector<16xf32>)  : i32 {
      %add3A_327 = arith.constant 448 : i32
      %add3A_328 = arith.addi %add3A_327, %scan3A_318 : i32
      %get3A = arith.index_cast %add3A_328 : i32 to index
      %get3A_329 = arith.constant 0 : index
      %get3A_330 = tpu.vector_load %arg7[%get3A, %get3A_329] {strides = array<i32>} : memref<512x128xf32, #tpu.memory_space<vmem>>, vector<1x16xf32>,
      %get3A_331 = vector.shape_cast %get3A_330 : vector<1x16xf32> to vector<16xf32>
      %get3A_332 = arith.index_cast %scan3A_318 : i32 to index
      %get3A_333 = arith.constant 0 : index
      %get3A_334 = tpu.vector_load %arg11[%get3A_332, %get3A_333] {strides = array<i32>} : memref<64x128xf32, #tpu.memory_space<vmem>>, vector<1x16xf32>,
      %get3A_335 = vector.shape_cast %get3A_334 : vector<1x16xf32> to vector<16xf32>
      %sub3A = arith.subf %get3A_331, %get3A_335 : vector<16xf32>
      %mul3A_336 = arith.mulf %sub3A, %sub3A : vector<16xf32>
      %add3A_337 = arith.addf %scan3A_319, %mul3A_336 : vector<16xf32>
      %add3A_338 = arith.constant 448 : i32
      %add3A_339 = arith.addi %add3A_338, %scan3A_318 : i32
      %get3A_340 = arith.index_cast %add3A_339 : i32 to index
      %get3A_341 = arith.constant 16 : index
      %get3A_342 = tpu.vector_load %arg7[%get3A_340, %get3A_341] {strides = array<i32>} : memref<512x128xf32, #tpu.memory_space<vmem>>, vector<1x16xf32>,
      %get3A_343 = vector.shape_cast %get3A_342 : vector<1x16xf32> to vector<16xf32>
      %get3A_344 = arith.index_cast %scan3A_318 : i32 to index
      %get3A_345 = arith.constant 16 : index
      %get3A_346 = tpu.vector_load %arg11[%get3A_344, %get3A_345] {strides = array<i32>} : memref<64x128xf32, #tpu.memory_space<vmem>>, vector<1x16xf32>,
      %get3A_347 = vector.shape_cast %get3A_346 : vector<1x16xf32> to vector<16xf32>
      %sub3A_348 = arith.subf %get3A_343, %get3A_347 : vector<16xf32>
      %mul3A_349 = arith.mulf %sub3A_348, %sub3A_348 : vector<16xf32>
      %add3A_350 = arith.addf %scan3A_320, %mul3A_349 : vector<16xf32>
      %add3A_351 = arith.constant 448 : i32
      %add3A_352 = arith.addi %add3A_351, %scan3A_318 : i32
      %get3A_353 = arith.index_cast %add3A_352 : i32 to index
      %get3A_354 = arith.constant 32 : index
      %get3A_355 = tpu.vector_load %arg7[%get3A_353, %get3A_354] {strides = array<i32>} : memref<512x128xf32, #tpu.memory_space<vmem>>, vector<1x16xf32>,
      %get3A_356 = vector.shape_cast %get3A_355 : vector<1x16xf32> to vector<16xf32>
      %get3A_357 = arith.index_cast %scan3A_318 : i32 to index
      %get3A_358 = arith.constant 32 : index
      %get3A_359 = tpu.vector_load %arg11[%get3A_357, %get3A_358] {strides = array<i32>} : memref<64x128xf32, #tpu.memory_space<vmem>>, vector<1x16xf32>,
      %get3A_360 = vector.shape_cast %get3A_359 : vector<1x16xf32> to vector<16xf32>
      %sub3A_361 = arith.subf %get3A_356, %get3A_360 : vector<16xf32>
      %mul3A_362 = arith.mulf %sub3A_361, %sub3A_361 : vector<16xf32>
      %add3A_363 = arith.addf %scan3A_321, %mul3A_362 : vector<16xf32>
      %add3A_364 = arith.constant 448 : i32
      %add3A_365 = arith.addi %add3A_364, %scan3A_318 : i32
      %get3A_366 = arith.index_cast %add3A_365 : i32 to index
      %get3A_367 = arith.constant 48 : index
      %get3A_368 = tpu.vector_load %arg7[%get3A_366, %get3A_367] {strides = array<i32>} : memref<512x128xf32, #tpu.memory_space<vmem>>, vector<1x16xf32>,
      %get3A_369 = vector.shape_cast %get3A_368 : vector<1x16xf32> to vector<16xf32>
      %get3A_370 = arith.index_cast %scan3A_318 : i32 to index
      %get3A_371 = arith.constant 48 : index
      %get3A_372 = tpu.vector_load %arg11[%get3A_370, %get3A_371] {strides = array<i32>} : memref<64x128xf32, #tpu.memory_space<vmem>>, vector<1x16xf32>,
      %get3A_373 = vector.shape_cast %get3A_372 : vector<1x16xf32> to vector<16xf32>
      %sub3A_374 = arith.subf %get3A_369, %get3A_373 : vector<16xf32>
      %mul3A_375 = arith.mulf %sub3A_374, %sub3A_374 : vector<16xf32>
      %add3A_376 = arith.addf %scan3A_322, %mul3A_375 : vector<16xf32>
      %add3A_377 = arith.constant 448 : i32
      %add3A_378 = arith.addi %add3A_377, %scan3A_318 : i32
      %get3A_379 = arith.index_cast %add3A_378 : i32 to index
      %get3A_380 = arith.constant 64 : index
      %get3A_381 = tpu.vector_load %arg7[%get3A_379, %get3A_380] {strides = array<i32>} : memref<512x128xf32, #tpu.memory_space<vmem>>, vector<1x16xf32>,
      %get3A_382 = vector.shape_cast %get3A_381 : vector<1x16xf32> to vector<16xf32>
      %get3A_383 = arith.index_cast %scan3A_318 : i32 to index
      %get3A_384 = arith.constant 64 : index
      %get3A_385 = tpu.vector_load %arg11[%get3A_383, %get3A_384] {strides = array<i32>} : memref<64x128xf32, #tpu.memory_space<vmem>>, vector<1x16xf32>,
      %get3A_386 = vector.shape_cast %get3A_385 : vector<1x16xf32> to vector<16xf32>
      %sub3A_387 = arith.subf %get3A_382, %get3A_386 : vector<16xf32>
      %mul3A_388 = arith.mulf %sub3A_387, %sub3A_387 : vector<16xf32>
      %add3A_389 = arith.addf %scan3A_323, %mul3A_388 : vector<16xf32>
      %add3A_390 = arith.constant 448 : i32
      %add3A_391 = arith.addi %add3A_390, %scan3A_318 : i32
      %get3A_392 = arith.index_cast %add3A_391 : i32 to index
      %get3A_393 = arith.constant 80 : index
      %get3A_394 = tpu.vector_load %arg7[%get3A_392, %get3A_393] {strides = array<i32>} : memref<512x128xf32, #tpu.memory_space<vmem>>, vector<1x16xf32>,
      %get3A_395 = vector.shape_cast %get3A_394 : vector<1x16xf32> to vector<16xf32>
      %get3A_396 = arith.index_cast %scan3A_318 : i32 to index
      %get3A_397 = arith.constant 80 : index
      %get3A_398 = tpu.vector_load %arg11[%get3A_396, %get3A_397] {strides = array<i32>} : memref<64x128xf32, #tpu.memory_space<vmem>>, vector<1x16xf32>,
      %get3A_399 = vector.shape_cast %get3A_398 : vector<1x16xf32> to vector<16xf32>
      %sub3A_400 = arith.subf %get3A_395, %get3A_399 : vector<16xf32>
      %mul3A_401 = arith.mulf %sub3A_400, %sub3A_400 : vector<16xf32>
      %add3A_402 = arith.addf %scan3A_324, %mul3A_401 : vector<16xf32>
      %add3A_403 = arith.constant 448 : i32
      %add3A_404 = arith.addi %add3A_403, %scan3A_318 : i32
      %get3A_405 = arith.index_cast %add3A_404 : i32 to index
      %get3A_406 = arith.constant 96 : index
      %get3A_407 = tpu.vector_load %arg7[%get3A_405, %get3A_406] {strides = array<i32>} : memref<512x128xf32, #tpu.memory_space<vmem>>, vector<1x16xf32>,
      %get3A_408 = vector.shape_cast %get3A_407 : vector<1x16xf32> to vector<16xf32>
      %get3A_409 = arith.index_cast %scan3A_318 : i32 to index
      %get3A_410 = arith.constant 96 : index
      %get3A_411 = tpu.vector_load %arg11[%get3A_409, %get3A_410] {strides = array<i32>} : memref<64x128xf32, #tpu.memory_space<vmem>>, vector<1x16xf32>,
      %get3A_412 = vector.shape_cast %get3A_411 : vector<1x16xf32> to vector<16xf32>
      %sub3A_413 = arith.subf %get3A_408, %get3A_412 : vector<16xf32>
      %mul3A_414 = arith.mulf %sub3A_413, %sub3A_413 : vector<16xf32>
      %add3A_415 = arith.addf %scan3A_325, %mul3A_414 : vector<16xf32>
      %add3A_416 = arith.constant 448 : i32
      %add3A_417 = arith.addi %add3A_416, %scan3A_318 : i32
      %get3A_418 = arith.index_cast %add3A_417 : i32 to index
      %get3A_419 = arith.constant 112 : index
      %get3A_420 = tpu.vector_load %arg7[%get3A_418, %get3A_419] {strides = array<i32>} : memref<512x128xf32, #tpu.memory_space<vmem>>, vector<1x16xf32>,
      %get3A_421 = vector.shape_cast %get3A_420 : vector<1x16xf32> to vector<16xf32>
      %get3A_422 = arith.index_cast %scan3A_318 : i32 to index
      %get3A_423 = arith.constant 112 : index
      %get3A_424 = tpu.vector_load %arg11[%get3A_422, %get3A_423] {strides = array<i32>} : memref<64x128xf32, #tpu.memory_space<vmem>>, vector<1x16xf32>,
      %get3A_425 = vector.shape_cast %get3A_424 : vector<1x16xf32> to vector<16xf32>
      %sub3A_426 = arith.subf %get3A_421, %get3A_425 : vector<16xf32>
      %mul3A_427 = arith.mulf %sub3A_426, %sub3A_426 : vector<16xf32>
      %add3A_428 = arith.addf %scan3A_326, %mul3A_427 : vector<16xf32>
      scf.yield %add3A_337, %add3A_350, %add3A_363, %add3A_376, %add3A_389, %add3A_402, %add3A_415, %add3A_428 : vector<16xf32>, vector<16xf32>, vector<16xf32>, vector<16xf32>, vector<16xf32>, vector<16xf32>, vector<16xf32>, vector<16xf32>
    }
    %scan3A_304 = arith.constant 64 : i32
    %add3A_305 = arith.addf %scan3A_303#0, %scan3A_303#1 : vector<16xf32>
    %add3A_306 = arith.addf %add3A_305, %scan3A_303#2 : vector<16xf32>
    %add3A_307 = arith.addf %add3A_306, %scan3A_303#3 : vector<16xf32>
    %add3A_308 = arith.addf %add3A_307, %scan3A_303#4 : vector<16xf32>
    %add3A_309 = arith.addf %add3A_308, %scan3A_303#5 : vector<16xf32>
    %add3A_310 = arith.addf %add3A_309, %scan3A_303#6 : vector<16xf32>
    %add3A_311 = arith.addf %add3A_310, %scan3A_303#7 : vector<16xf32>
    %mul3A_312 = arith.constant 5.000000e-01 : f32
    %mul3A_313 = vector.broadcast %mul3A_312 : f32 to vector<16xf32>
    %mul3A_314 = arith.mulf %mul3A_313, %add3A_311 : vector<16xf32>
    %swap3A = arith.constant 0 : index
    %swap3A_315 = tpu.vector_load %arg12[%swap3A] {strides = array<i32>} : memref<16xf32, #tpu.memory_space<vmem>>, vector<16xf32>,
    %swap3A_316 = vector.shape_cast %swap3A_315 : vector<16xf32> to vector<16xf32>
    %swap3A_317 = vector.shape_cast %mul3A_314 : vector<16xf32> to vector<16xf32>
    tpu.vector_store %arg12[%swap3A], %swap3A_317 {strides = array<i32>} : memref<16xf32, #tpu.memory_space<vmem>>, vector<16xf32>,
    "tpu.region"() ({
      %run_scoped3A = tpu.sem_alloc : memref<!tpu.dma_semaphore, #tpu.memory_space<semaphore_mem>>
      %dma_start3A_318 = arith.constant 0 : i32
      %dma_start3A_319 = tpu.memref_slice %arg5[%add3A, %dma_start3A_318] : memref<32x16xf32, #tpu.memory_space<hbm>> -> memref<1x16xf32, #tpu.memory_space<hbm>>
      %dma_start3A_320 = tpu.memref_squeeze %dma_start3A_319 : memref<1x16xf32, #tpu.memory_space<hbm>> -> memref<16xf32, #tpu.memory_space<hbm>>
      %dma_start3A_321 = arith.constant 0 : i32
      %dma_start3A_322 = tpu.memref_slice %arg5[%add3A, %dma_start3A_321] : memref<32x16xf32, #tpu.memory_space<hbm>> -> memref<1x16xf32, #tpu.memory_space<hbm>>
      %dma_start3A_323 = tpu.memref_squeeze %dma_start3A_322 : memref<1x16xf32, #tpu.memory_space<hbm>> -> memref<16xf32, #tpu.memory_space<hbm>>
      tpu.enqueue_dma source(%arg12 : memref<16xf32, #tpu.memory_space<vmem>>) target(%dma_start3A_323 : memref<16xf32, #tpu.memory_space<hbm>>) target_semaphore(%run_scoped3A : memref<!tpu.dma_semaphore, #tpu.memory_space<semaphore_mem>>)
      %dma_wait3A_324 = arith.constant 0 : i32
      %dma_wait3A_325 = tpu.memref_slice %arg5[%add3A, %dma_wait3A_324] : memref<32x16xf32, #tpu.memory_space<hbm>> -> memref<1x16xf32, #tpu.memory_space<hbm>>
      %dma_wait3A_326 = tpu.memref_squeeze %dma_wait3A_325 : memref<1x16xf32, #tpu.memory_space<hbm>> -> memref<16xf32, #tpu.memory_space<hbm>>
      %dma_wait3A_327 = arith.constant 0 : i32
      %dma_wait3A_328 = tpu.memref_slice %arg5[%add3A, %dma_wait3A_327] : memref<32x16xf32, #tpu.memory_space<hbm>> -> memref<1x16xf32, #tpu.memory_space<hbm>>
      %dma_wait3A_329 = tpu.memref_squeeze %dma_wait3A_328 : memref<1x16xf32, #tpu.memory_space<hbm>> -> memref<16xf32, #tpu.memory_space<hbm>>
      tpu.wait_dma2 semaphore(%run_scoped3A : memref<!tpu.dma_semaphore, #tpu.memory_space<semaphore_mem>>) src(%arg12 : memref<16xf32, #tpu.memory_space<vmem>>) dst(%dma_wait3A_329 : memref<16xf32, #tpu.memory_space<hbm>>)
      tpu.yield
    }) : () -> ()
    return
  }
}

</mosaic_0001>

<sc_bundles>
// kernel: kernel.3.cloned.1.call-start
scs
__scs_entry_jumppad:
0x0: {  	(pc) =	sbr.rel $0x88, $3  }
0x1: {  	(tag) =	ssettag $0x0;
	lr =	simm.s32 $0x1  }
0x2: {  	[smem:$0x3F9D] =	sst lr;
	_ =	strace $0xD0000000  }
0x3: {  	_ = 	snop  }
0x4: {  	_ = 	snop  }
0x5: {  	_ = 	snop  }
0x6: {  	_ = 	snop  }
0x7: {  	_ = 	snop  }
__scs_overlays_trampoline_lowered:
0x8: {  	[smem:$0x3FAC] =	sst s0  }
0x9: {  	[smem:$0x3FAD] =	sst s1  }
0xa: {  	[smem:$0x3FAE] =	sst s2  }
0xb: {  	[smem:$0x3FAF] =	sst s3  }
0xc: {  	[smem:$0x3FB0] =	sst s4  }
0xd: {  	[smem:$0x3FB1] =	sst s5  }
0xe: {  	[smem:$0x3FB2] =	sst s6  }
0xf: {  	[smem:$0x3FB3] =	sst s7  }
0x10: {  	[smem:$0x3FB4] =	sst s8  }
0x11: {  	[smem:$0x3FB5] =	sst s9;
	s0 =	simm.s32 @!p0 $0x0  }
0x12: {  	s1 =	sld [smem:$0x3F9B];
	s0 =	simm.s32 @p0 $0x1  }
0x13: {  	[smem:$0x3FB6] =	sst s0;
	s0 =	simm.s32 @!p1 $0x0  }
0x14: {  	s2 =	sld [smem:$0x3F9A];
	s0 =	simm.s32 @p1 $0x1  }
0x15: {  	[smem:$0x3FB7] =	sst s0;
	s0 =	simm.s32 @!p2 $0x0  }
0x16: {  	s3 =	sld [smem:$0x3FDB];
	s0 =	simm.s32 @p2 $0x1  }
0x17: {  	s4 =	simm.s32 $0x1BF5;
	[smem:$0x3FB9] =	sst s0  }
0x18: {  	s0 =	sld [smem:$0x3F9C];
	_ =	swait.ge [sflag:s4], $0x0  }
0x19: {  	s7 =	sld [smem:$0x3F9D]  }
0x1a: {  	s8 =	sadd.s32 $0xFFFFE003, lr  }
0x1b: {  	s9 =	sadd.s32 $0xFFFFFEF7, lr;
	s5 =	simm.s32 $0xFFFFFFFF;
	p2 =	slt.u32 s8, $0xFFFFF086  }
0x1c: {  	p1 =	slt.u32 s9, $0xF7A;
	s5 =	simm.s32 @!p2 $0x0  }
0x1d: {  	s5 =	simm.s32 @p1 $0x1;
	p0 =	seq.s32 s7, s2  }
0x1e: {  	s7 =	smul.u32 @!p0 $0xF7A, s2;
	p2 =	seq.s32 @!p0 s5, $0x0  }
0x1f: {  	s9 =	smul.u32 $0xF7A, s1;
	s8 =	simm.s32 @!p0 $0x1BF5;
	p2 =	por !p2, p0  }
0x20: {  	[sflag:s8] =	ssyncset.s32 @!p0 $0xFFFFF086;
	s6 =	sadd.s32 @!p0 s3, s7;
	s7 =	simm.s32 @!p0 $0x108  }
0x21: {  	s3 =	sadd.s32 s3, s9;
	s6 =	sadd.s32 @!p0 $0x88, s6;
	s7 =	simm.s32 @p2 $0x1082  }
0x22: {  	[simem:s7], [sflag:s8] =	dma.local @!p0 [hbm:s6], $0xF7A  }
0x23: {  	s9 =	sor.u32 $0xD0000000, s2;
	s6 =	simm.s32 $0x108;
	_ =	swait.ge @!p0 [sflag:s8], $0x0  }
0x24: {  	s3 =	sadd.s32 $0x88, s3;
	s6 =	simm.s32 @!p1 $0x1082;
	[sflag:s4] =	ssyncset.s32 $0xFFFFF086  }
0x25: {  	[simem:s6], [sflag:s4] =	dma.local [hbm:s3], $0xF7A  }
0x26: {  	[smem:$0x3F9D] =	sst s1;
	(tag) =	ssettag s2;
	_ =	strace s9  }
0x27: {  	s1 =	sld [smem:$0x3FAD]  }
0x28: {  	s2 =	sld [smem:$0x3FAE]  }
0x29: {  	s4 =	sld [smem:$0x3FB0]  }
0x2a: {  	p0 =	seq.s32 s5, $0x0;
	s5 =	sld [smem:$0x3FB1]  }
0x2b: {  	s6 =	sld [smem:$0x3FB2]  }
0x2c: {  	s7 =	sld [smem:$0x3FB3]  }
0x2d: {  	s3 =	simm.s32 $0x108;
	s8 =	sld [smem:$0x3FB4]  }
0x2e: {  	s3 =	simm.s32 @!p0 $0x1082;
	s9 =	sld [smem:$0x3FB5]  }
0x2f: {  	lr =	sadd.s32 s0, s3;
	s0 =	sld [smem:$0x3FAC]  }
0x30: {  	s3 =	sld [smem:$0x3FAF]  }
0x31: {  	[smem:$0x3FB8] =	sst s10  }
0x32: {  	s10 =	sld [smem:$0x3FB6];
	_ =	sdelay $0x3  }
0x33: {  	p0 =	seq.s32 s10, $0x1;
	s10 =	sld [smem:$0x3FB8];
	_ =	sdelay $0x3  }
0x34: {  	[smem:$0x3FB8] =	sst s10  }
0x35: {  	s10 =	sld [smem:$0x3FB7];
	_ =	sdelay $0x3  }
0x36: {  	p1 =	seq.s32 s10, $0x1;
	s10 =	sld [smem:$0x3FB8];
	_ =	sdelay $0x3  }
0x37: {  	[smem:$0x3FB8] =	sst s10  }
0x38: {  	s10 =	sld [smem:$0x3FB9]  }
0x39: {  	_ = 	snop;
	(pc) =	sbr.ind lr, $3  }
0x3a: {  	_ = 	snop  }
0x3b: {  	_ = 	snop  }
0x3c: {  	p2 =	seq.s32 s10, $0x1;
	s10 =	sld [smem:$0x3FB8]  }
0x3d: {  	_ =	shalt  }
0x3e: {  	_ =	shalt  }
0x3f: {  	_ =	shalt  }
0x40: {  	_ =	shalt  }
0x41: {  	_ =	shalt  }
0x42: {  	_ =	shalt  }
0x43: {  	_ =	shalt  }
0x44: {  	_ =	shalt  }
0x45: {  	_ =	shalt  }
0x46: {  	_ =	shalt  }
0x47: {  	_ =	shalt  }
0x48: {  	_ =	shalt  }
0x49: {  	_ =	shalt  }
0x4a: {  	_ =	shalt  }
0x4b: {  	_ =	shalt  }
0x4c: {  	_ =	shalt  }
0x4d: {  	_ =	shalt  }
0x4e: {  	_ =	shalt  }
0x4f: {  	_ =	shalt  }
0x50: {  	_ =	shalt  }
0x51: {  	_ =	shalt  }
0x52: {  	_ =	shalt  }
0x53: {  	_ =	shalt  }
0x54: {  	_ =	shalt  }
0x55: {  	_ =	shalt  }
0x56: {  	_ =	shalt  }
0x57: {  	_ =	shalt  }
0x58: {  	_ =	shalt  }
0x59: {  	_ =	shalt  }
0x5a: {  	_ =	shalt  }
0x5b: {  	_ =	shalt  }
0x5c: {  	_ =	shalt  }
0x5d: {  	_ =	shalt  }
0x5e: {  	_ =	shalt  }
0x5f: {  	_ =	shalt  }
0x60: {  	_ =	shalt  }
0x61: {  	_ =	shalt  }
0x62: {  	_ =	shalt  }
0x63: {  	_ =	shalt  }
0x64: {  	_ =	shalt  }
0x65: {  	_ =	shalt  }
0x66: {  	_ =	shalt  }
0x67: {  	_ =	shalt  }
0x68: {  	_ =	shalt  }
0x69: {  	_ =	shalt  }
0x6a: {  	_ =	shalt  }
0x6b: {  	_ =	shalt  }
0x6c: {  	_ =	shalt  }
0x6d: {  	_ =	shalt  }
0x6e: {  	_ =	shalt  }
0x6f: {  	_ =	shalt  }
0x70: {  	_ =	shalt  }
0x71: {  	_ =	shalt  }
0x72: {  	_ =	shalt  }
0x73: {  	_ =	shalt  }
0x74: {  	_ =	shalt  }
0x75: {  	_ =	shalt  }
0x76: {  	_ =	shalt  }
0x77: {  	_ =	shalt  }
0x78: {  	_ =	shalt  }
0x79: {  	_ =	shalt  }
0x7a: {  	_ =	shalt  }
0x7b: {  	_ =	shalt  }
0x7c: {  	_ =	shalt  }
0x7d: {  	_ =	shalt  }
0x7e: {  	_ =	shalt  }
0x7f: {  	_ =	shalt  }
0x80: {  	_ =	shalt  }
0x81: {  	_ =	shalt  }
0x82: {  	_ =	shalt  }
0x83: {  	_ =	shalt  }
0x84: {  	_ =	shalt  }
0x85: {  	_ =	shalt  }
0x86: {  	_ =	shalt  }
0x87: {  	_ =	shalt  }
.Lfunc_end0:
.L_simem_size_0:
called_computation_lowered:
.L_overlay_start_0:
0x88: {  	s2 =	sld [smem:$0x3FD9]  }
0x89: {  	s3 =	sld [smem:$0x3FFE];
	_ =	sdelay $0x1  }
0x8a: {  	s1 =	srdreg.scid  }
0x8b: {  	s0 =	sand.u32 $0x1, s1  }
0x8c: {  	s17 =	sshll.u32 s0, $0xA;
	s2 =	sadd.s32 s3, s2  }
0x8d: {  	s2 =	sadd.s32 s2, s17  }
0x8e: {  	[smem:$0x3FC4] =	sst s2  }
0x8f: {  	_ = 	snop  }
0x90: {  	s2 =	sld [smem:$0x3FC9]  }
0x91: {  	s18 =	sld [smem:$0x3FC7]  }
0x92: {  	s4 =	sld [smem:$0x3FC6];
	(tm) =	ssettm $0x1  }
0x93: {  	s5 =	sld [smem:$0x3FFB];
	_ =	sdelay $0x3  }
0x94: {  	_ =	strace s5  }
0x95: {  	s5 =	sld [smem:$0x3FFC];
	_ =	sdelay $0x3  }
0x96: {  	_ =	strace s5  }
0x97: {  	s5 =	sld [smem:$0x3FFD];
	_ =	sdelay $0x3  }
0x98: {  	_ =	strace s5  }
0x99: {  	_ =	strace $0x8FFFFFFF  }
0x9a: {  	s19 =	sld [smem:$0x3FDB];
	_ =	sdelay $0x1  }
0x9b: {  	s6 =	simm.s32 $_scs_section_size  }
0x9c: {  	s7 =	simm.s32 $_size__tile_overlayer_lowered;
	s8 =	simm.s32 $_tile_overlayer_lowered  }
0x9d: {  	s22 =	simm.s32 $0x1BFF;
	s21 =	sshll.u32 s8, $0x1;
	s5 =	sadd.s32 s6, s19  }
0x9e: {  	s9 =	simm.s32 $0x0;
	s20 =	sshll.u32 s7, $0x1;
	s7 =	sadd.s32 s21, s5  }
0x9f: {  	[timem:s9], [sflag:s22] =	dma.local [hbm:s7], s20  }
0xa0: {  	_ =	swait.ge [sflag:s22], s20  }
0xa1: {  	s6 =	ssub.s32 $0x0, s20;
	[sflag:s22] =	ssyncset.done $0x0  }
0xa2: {  	[sflag:s22] =	ssyncadd.s32 s6;
	_ =	sdelay $0x1  }
0xa3: {  	s23 =	simm.s32 $0x1B8B  }
0xa4: {  	_ =	swait.ge [sflag:s23], $0x1  }
0xa5: {  	[sflag:s23] =	ssyncset.done $0x0  }
0xa6: {  	s25 =	simm.s32 $0x1B8E;
	s24 =	sld [smem:$0x3FFE];
	[sflag:s23] =	ssyncadd.s32 $0xFFFFFFFF  }
0xa7: {  	s26 =	simm.s32 $execute0_lowered;
	[smem:$0x3FD2] =	sst s25  }
0xa8: {  	s7 =	sshll.u32 s26, $0x1;
	_ =	strace $0x80000046;
	[dreg:$0x1] =	wrdreg $0xFFFFFFFF  }
0xa9: {  	s28 =	simm.s32 $_size_execute0_lowered;
	s5 =	sadd.s32 s5, s7;
	[dreg:$0x0] =	wrdreg $0x0  }
0xaa: {  	s7 =	sshll.u32 s28, $0x1;
	[dreg:$0x2] =	wrdreg s5  }
0xab: {  	[dreg:$0x3] =	wrdreg s7  }
0xac: {  	[dreg:$0x4] =	wrdreg $0xC0  }
0xad: {  	_ =	task [dreg:s9], $0x5FFFF  }
0xae: {  	[dreg:$0x1] =	wrdreg $0xFFFFFFFF  }
0xaf: {  	[dreg:$0x0] =	wrdreg $0x60  }
0xb0: {  	[dreg:$0x2] =	wrdreg s2  }
0xb1: {  	[dreg:$0x3] =	wrdreg s18  }
0xb2: {  	[dreg:$0x4] =	wrdreg s4  }
0xb3: {  	[dreg:$0x5] =	wrdreg s24  }
0xb4: {  	[dreg:$0x6] =	wrdreg $0x9  }
0xb5: {  	_ =	task.clear_ibuf [dreg:s9], $0x7FFFF;
	_ =	strace $0x90000046  }
0xb6: {  	s29 =	simm.s32 $0x9;
	_ =	strace $0x80000048  }
0xb7: {  	_ =	swait.ge [sflag:s29], $0x1  }
0xb8: {  	[sflag:s29] =	ssyncadd.s32 $0xFFFFFFFF  }
0xb9: {  	_ =	strace $0x90000048  }
0xba: {  	_ =	sfence  }
0xbb: {  	s30 =	sld [smem:$0x0];
	_ =	sdelay $0x2  }
0xbc: {  	s31 =	sshll.u32 s1, $0xD;
	s1 =	sshrl.u32 s1, $0x2  }
0xbd: {  	s3 =	sand.u32 $0x4000, s31;
	s1 =	sadd.s32 s1, s30  }
0xbe: {  	s0 =	sor.u32 s3, s0;
	s1 =	sshll.u32 s1, $0x11  }
0xbf: {  	s0 =	sor.u32 s1, s0  }
0xc0: {  	s0 =	sadd.s32 $0x8F2B, s0  }
0xc1: {  	[sflag:s0] =	ssyncadd.remote.s32 $0x1  }
0xc2: {  	_ =	sfence.sel $0xFFFF  }
0xc3: {  	[dreg:$0x0] =	wrdreg $0xFFFFFFFF;
	(pc) =	sbr.abs _section_cstart, $3  }
0xc4: {  	[dreg:$0x1] =	wrdreg $0xFFFFFFFF  }
0xc5: {  	_ =	task.clear_ibuf [dreg:s9], $0x2FFFF;
	_ =	strace $0x9FFFFFFF  }
0xc6: {  	(tm) =	ssettm $0x7FFFFFFF  }
0xc7: {  	_ =	shalt  }
tec
execute0_lowered:
.L_overlay_start_1:
0x0: {  	(tag) =	ssettag $0x1  }
0x1: {  	s0 =	rddreg [dreg:$0x0]  }
0x2: {  	s1 =	rddreg [dreg:$0x1]  }
0x3: {  	s2 =	rddreg [dreg:$0x2]  }
0x4: {  	s13 =	rddreg [dreg:$0x3]  }
0x5: {  	s3 =	srdreg.scid;
	s5 =	stileid.u32  }
0x6: {  	s23 =	simm.s32 $0x3;
	s24 =	simm.s32 $0x40;
	s28 =	simm.s32 $0x80  }
0x7: {  	s29 =	simm.s32 $0x14200;
	s30 =	simm.s32 $0xC0;
	s31 =	simm.s32 $0x16200  }
0x8: {  	s16 =	simm.s32 $0x140;
	s17 =	simm.s32 $0x180;
	s18 =	simm.s32 $0x1C0  }
0x9: {  	s19 =	simm.s32 $0x18200;
	s20 =	simm.s32 $0x0;
	s4 =	sand.u32 $0x1, s3  }
0xa: {  	s5 =	sshll.u32 s5, $0x1;
	s3 =	simm.s32 $0x0;
	s6 =	ssub.s32 $0x2, s4  }
0xb: {  	s12 =	sor.u32 s4, s5;
	[smem:$0x7FF] =	sst s3;
	s25 =	sshrl.u32 s6, $0x1  }
0xc: {  	s5 =	sshll.u32 s12, $0xD;
	_ =	strace $0x80000047;
	s26 =	sshll.u32 s12, $0x6  }
0xd: {  	s15 =	sshll.u32 s12, $0x4;
	s14 =	ssub.s32 s6, s25;
	s4 =	sadd.s32 s0, s5  }
0xe: {  	s12 =	sadd.s32 s1, s26;
	s13 =	sadd.s32 s13, s15;
	s25 =	simm.s32 $0x10200  }
0xf: {  	s26 =	simm.s32 $0x12200;
	s0 =	simm.s32 $0x1;
	s1 =	simm.s32 $0x2  }
0x10: {  	s15 =	simm.s32 $0x100;
	s5 =	sadd.s32 $0x400, s4;
	s6 =	sadd.s32 $0x800, s4  }
0x11: {  	s7 =	sadd.s32 $0xC00, s4;
	s8 =	sadd.s32 $0x1000, s4;
	s9 =	sadd.s32 $0x1400, s4  }
0x12: {  	s10 =	sadd.s32 $0x1800, s4;
	s11 =	sadd.s32 $0x1C00, s4;
	s14 =	smax.u32 s14, $0x1  }
.LBB2_1:
0x13: {  	s21 =	simm.s32 $0x200  }
0x14: {  	[tilespmem:s21], [sflag:$0x2] =	stream.linear.gather [hbm4b:s4+s3], $0x2000, $0x38;
	[tilespmem:$0x18280] =	vst v63  }
0x15: {  	s22 =	simm.s32 $0x2200  }
0x16: {  	[tilespmem:s22], [sflag:$0x2] =	stream.linear.gather [hbm4b:s5+s3], $0x2000, $0x38;
	[tilespmem:$0x18280] =	vst v63  }
0x17: {  	s22 =	simm.s32 $0x4200  }
0x18: {  	[tilespmem:s22], [sflag:$0x2] =	stream.linear.gather [hbm4b:s6+s3], $0x2000, $0x38;
	[tilespmem:$0x18280] =	vst v63  }
0x19: {  	s22 =	simm.s32 $0x6200  }
0x1a: {  	[tilespmem:s22], [sflag:$0x2] =	stream.linear.gather [hbm4b:s7+s3], $0x2000, $0x38;
	[tilespmem:$0x18280] =	vst v63  }
0x1b: {  	s22 =	simm.s32 $0x8200  }
0x1c: {  	[tilespmem:s22], [sflag:$0x2] =	stream.linear.gather [hbm4b:s8+s3], $0x2000, $0x38;
	[tilespmem:$0x18280] =	vst v63  }
0x1d: {  	s22 =	simm.s32 $0xA200  }
0x1e: {  	[tilespmem:s22], [sflag:$0x2] =	stream.linear.gather [hbm4b:s9+s3], $0x2000, $0x38;
	[tilespmem:$0x18280] =	vst v63  }
0x1f: {  	s22 =	simm.s32 $0xC200  }
0x20: {  	[tilespmem:s22], [sflag:$0x2] =	stream.linear.gather [hbm4b:s10+s3], $0x2000, $0x38;
	[tilespmem:$0x18280] =	vst v63  }
0x21: {  	s22 =	simm.s32 $0xE200  }
0x22: {  	[tilespmem:s22], [sflag:$0x2] =	stream.linear.gather [hbm4b:s11+s3], $0x2000, $0x38;
	[tilespmem:$0x18280] =	vst v63  }
0x23: {  	_ = 	snop  }
0x24: {  	[tilespmem:s3], [sflag:$0x3] =	stream.linear.gather [hbm4b:s12+s3], $0x200, $0x38;
	[tilespmem:$0x18280] =	vst v63  }
0x25: {  	_ =	swait.ge [sflag:s23], $0x200  }
0x26: {  	[sflag:s23] =	ssyncset.done $0x0  }
0x27: {  	[sflag:s23] =	ssyncadd.s32 $0xFFFFFE00  }
0x28: {  	[tilespmem:s25], [sflag:$0x1] =	stream.indirect.gather [hbm4b:s2+s24], $0x80, s3, s24, $0xb8;
	[tilespmem:$0x18280] =	vst v63  }
0x29: {  	_ = 	snop  }
0x2a: {  	[tilespmem:s26], [sflag:$0x1] =	stream.indirect.gather [hbm4b:s2+s24], $0x80, s24, s24, $0xb8;
	[tilespmem:$0x18280] =	vst v63  }
0x2b: {  	_ = 	snop  }
0x2c: {  	[tilespmem:s29], [sflag:$0x1] =	stream.indirect.gather [hbm4b:s2+s24], $0x80, s28, s24, $0xb8;
	[tilespmem:$0x18280] =	vst v63  }
0x2d: {  	_ = 	snop  }
0x2e: {  	[tilespmem:s31], [sflag:$0x1] =	stream.indirect.gather [hbm4b:s2+s24], $0x80, s30, s24, $0xb8;
	[tilespmem:$0x18280] =	vst v63  }
0x2f: {  	_ =	swait.ge [sflag:s0], $0x2000  }
0x30: {  	[sflag:s0] =	ssyncset.done $0x0  }
0x31: {  	[sflag:s0] =	ssyncadd.s32 $0xFFFFE000  }
0x32: {  	_ =	swait.ge [sflag:s1], $0x2000  }
0x33: {  	[sflag:s1] =	ssyncset.done $0x0  }
0x34: {  	s22 =	simm.s32 $0x0;
	[sflag:s1] =	ssyncadd.s32 $0xFFFFE000  }
0x35: {  	v0 =	vld [tilespmem:s22+$0x270]  }
0x36: {  	v1 =	vld [tilespmem:s22+$0x10270]  }
0x37: {  	v2 =	vld [tilespmem:s22+$0x200]  }
0x38: {  	v3 =	vld [tilespmem:s22+$0x10200]  }
0x39: {  	v4 =	vld [tilespmem:s22+$0x210]  }
0x3a: {  	v5 =	vld [tilespmem:s22+$0x10210]  }
0x3b: {  	v6 =	vld [tilespmem:s22+$0x220]  }
0x3c: {  	v7 =	vld [tilespmem:s22+$0x10220]  }
0x3d: {  	v9 =	vld [tilespmem:s22+$0x230]  }
0x3e: {  	v10 =	vld [tilespmem:s22+$0x10230];
	_ =	sdelay $0x2  }
0x3f: {  	v14 =	vld [tilespmem:s22+$0x240];
	v0 =	vsub.f32 v0, v1;
	v1 =	vsub.f32 v2, v3  }
0x40: {  	v2 =	vsub.f32 v4, v5;
	v5 =	vld [tilespmem:s22+$0x10240];
	v3 =	vsub.f32 v6, v7  }
0x41: {  	v8 =	vld [tilespmem:s22+$0x250];
	v4 =	vimm.f32 $0.0e+00;
	v6 =	vsub.f32 v9, v10;
	v0 =	vmul.f32 v0, v0  }
0x42: {  	v11 =	vld [tilespmem:s22+$0x10250];
	v7 =	vimm.f32 $0.0e+00;
	v1 =	vmul.f32 v1, v1;
	v2 =	vmul.f32 v2, v2  }
0x43: {  	v12 =	vld [tilespmem:s22+$0x10260];
	v3 =	vmul.f32 v3, v3;
	v13 =	vmul.f32 v6, v6;
	v0 =	vadd.f32 v0, v4  }
0x44: {  	s21 =	simm.s32 $0x80;
	v9 =	vld [tilespmem:s22+$0x260];
	v6 =	vimm.f32 $0.0e+00;
	v1 =	vadd.f32 v1, v4;
	v2 =	vadd.f32 v2, v4  }
0x45: {  	v10 =	vld [tilespmem:s21+$0x270];
	s22 =	simm.s32 $0x400;
	v3 =	vadd.f32 v3, v4;
	v14 =	vsub.f32 v14, v5;
	v5 =	vimm.f32 $0.0e+00  }
.LBB2_2:
0x46: {  	p0 =	sne.s32 s22, $0x7E00;
	v15 =	vld [tilespmem:s21+$0x10270]  }
0x47: {  	v16 =	vld [tilespmem:s21+$0x200];
	v4 =	vadd.f32 v13, v4;
	v13 =	vmul.f32 v14, v14;
	v8 =	vsub.f32 v8, v11  }
0x48: {  	v11 =	vld [tilespmem:s21+$0x10200]  }
0x49: {  	v14 =	vld [tilespmem:s21+$0x210];
	v7 =	vadd.f32 v13, v7;
	v8 =	vmul.f32 v8, v8;
	v9 =	vsub.f32 v9, v12  }
0x4a: {  	v12 =	vld [tilespmem:s21+$0x10210]  }
0x4b: {  	v13 =	vld [tilespmem:s21+$0x220];
	v10 =	vsub.f32 v10, v15;
	v6 =	vadd.f32 v8, v6;
	v8 =	vmul.f32 v9, v9  }
0x4c: {  	v9 =	vld [tilespmem:s21+$0x10220]  }
0x4d: {  	v11 =	vsub.f32 v16, v11;
	v15 =	vld [tilespmem:s21+$0x230];
	v10 =	vmul.f32 v10, v10;
	v5 =	vadd.f32 v8, v5  }
0x4e: {  	v16 =	vld [tilespmem:s21+$0x10230]  }
0x4f: {  	v8 =	vmul.f32 v11, v11;
	v11 =	vsub.f32 v14, v12;
	v14 =	vld [tilespmem:s21+$0x240];
	v0 =	vadd.f32 v10, v0  }
0x50: {  	v17 =	vld [tilespmem:s21+$0x10240]  }
.Ltmp0:
0x51: {  	v1 =	vadd.f32 v8, v1;
	v10 =	vmul.f32 v11, v11;
	v9 =	vsub.f32 v13, v9;
	v8 =	vld [tilespmem:s21+$0x250];
	(pc) =	sbr.rel @p0 .LBB2_2-.Ltmp0, $4  }
0x52: {  	v11 =	vld [tilespmem:s21+$0x10250]  }
0x53: {  	v2 =	vadd.f32 v10, v2;
	v13 =	vmul.f32 v9, v9;
	v15 =	vsub.f32 v15, v16;
	v9 =	vld [tilespmem:s21+$0x260]  }
0x54: {  	v12 =	vld [tilespmem:s21+$0x10260];
	s21 =	sshra.s32 s22, $0x2  }
0x55: {  	s22 =	sadd.s32 $0x200, s22;
	v10 =	vld [tilespmem:s21+$0x270];
	v3 =	vadd.f32 v13, v3;
	v13 =	vmul.f32 v15, v15;
	v14 =	vsub.f32 v14, v17  }
0x56: {  	v15 =	vld [tilespmem:s21+$0x10270]  }
0x57: {  	v16 =	vld [tilespmem:s21+$0x200]  }
0x58: {  	v17 =	vld [tilespmem:s21+$0x10200]  }
0x59: {  	v18 =	vld [tilespmem:s21+$0x210]  }
0x5a: {  	v19 =	vld [tilespmem:s21+$0x10210]  }
0x5b: {  	v20 =	vld [tilespmem:s21+$0x220]  }
0x5c: {  	v21 =	vld [tilespmem:s21+$0x10220]  }
0x5d: {  	v22 =	vld [tilespmem:s21+$0x230]  }
0x5e: {  	v23 =	vld [tilespmem:s21+$0x10230]  }
0x5f: {  	v24 =	vld [tilespmem:s21+$0x240]  }
0x60: {  	v25 =	vld [tilespmem:s21+$0x10240]  }
0x61: {  	v26 =	vld [tilespmem:s21+$0x250]  }
0x62: {  	v27 =	vld [tilespmem:s21+$0x10250]  }
0x63: {  	v28 =	vld [tilespmem:s21+$0x260]  }
0x64: {  	v29 =	vld [tilespmem:s21+$0x10260];
	[tilespmem:s25], [sflag:$0x1] =	stream.indirect.gather [hbm4b:s2+s24], $0x80, s15, s24, $0xb8  }
0x65: {  	_ =	swait.ge [sflag:s0], $0x2000  }
0x66: {  	[sflag:s0] =	ssyncset.done $0x0  }
0x67: {  	[sflag:s0] =	ssyncadd.s32 $0xFFFFE000  }
0x68: {  	_ =	swait.ge [sflag:s1], $0x2000  }
0x69: {  	v8 =	vsub.f32 v8, v11;
	[sflag:s1] =	ssyncset.done $0x0  }
0x6a: {  	s22 =	simm.s32 $0x0;
	v11 =	vmul.f32 v14, v14;
	[sflag:s1] =	ssyncadd.s32 $0xFFFFE000  }
0x6b: {  	v8 =	vmul.f32 v8, v8;
	v9 =	vsub.f32 v9, v12;
	v12 =	vld [tilespmem:s22+$0x2270]  }
0x6c: {  	v4 =	vadd.f32 v13, v4;
	v7 =	vadd.f32 v11, v7;
	v11 =	vld [tilespmem:s22+$0x12270]  }
0x6d: {  	v10 =	vsub.f32 v10, v15;
	v6 =	vadd.f32 v8, v6;
	v8 =	vmul.f32 v9, v9;
	v9 =	vld [tilespmem:s22+$0x2200]  }
0x6e: {  	v13 =	vsub.f32 v16, v17;
	v14 =	vsub.f32 v18, v19;
	v15 =	vld [tilespmem:s22+$0x12200]  }
0x6f: {  	v5 =	vadd.f32 v8, v5;
	v8 =	vmul.f32 v10, v10;
	v10 =	vsub.f32 v20, v21;
	v54 =	vld [tilespmem:s22+$0x2210]  }
0x70: {  	v55 =	vsub.f32 v22, v23;
	v13 =	vmul.f32 v13, v13;
	v14 =	vmul.f32 v14, v14;
	v56 =	vld [tilespmem:s22+$0x12210]  }
0x71: {  	v57 =	vadd.f32 v8, v0;
	v0 =	vmul.f32 v10, v10;
	v8 =	vsub.f32 v24, v25;
	v10 =	vld [tilespmem:s22+$0x2220]  }
0x72: {  	v13 =	vadd.f32 v13, v1;
	v14 =	vadd.f32 v14, v2;
	v1 =	vmul.f32 v55, v55;
	v2 =	vld [tilespmem:s22+$0x12220]  }
0x73: {  	v59 =	vld [tilespmem:s22+$0x2230];
	v58 =	vadd.f32 v0, v3;
	v3 =	vmul.f32 v8, v8;
	v8 =	vsub.f32 v26, v27  }
0x74: {  	v60 =	vld [tilespmem:s22+$0x12230];
	v0 =	vadd.f32 v1, v4;
	v1 =	vsub.f32 v28, v29  }
0x75: {  	v61 =	vld [tilespmem:s22+$0x2240];
	v4 =	vadd.f32 v3, v7;
	v3 =	vmul.f32 v8, v8;
	v8 =	vsub.f32 v12, v11  }
0x76: {  	v9 =	vsub.f32 v9, v15;
	v15 =	vld [tilespmem:s22+$0x12240];
	v1 =	vmul.f32 v1, v1;
	v11 =	vsub.f32 v54, v56  }
0x77: {  	v2 =	vsub.f32 v10, v2;
	v7 =	vadd.f32 v3, v6;
	v3 =	vmul.f32 v8, v8;
	v8 =	vld [tilespmem:s22+$0x2250]  }
0x78: {  	v6 =	vadd.f32 v1, v5;
	v5 =	vmul.f32 v9, v9;
	v10 =	vmul.f32 v11, v11;
	v11 =	vld [tilespmem:s22+$0x12250]  }
0x79: {  	v63 =	vsub.f32 v59, v60;
	v12 =	vld [tilespmem:s22+$0x12260];
	v62 =	vmul.f32 v2, v2;
	v1 =	vadd.f32 v3, v57  }
0x7a: {  	s21 =	simm.s32 $0x80;
	v9 =	vld [tilespmem:s22+$0x2260];
	v2 =	vadd.f32 v5, v13;
	v3 =	vadd.f32 v10, v14  }
0x7b: {  	s22 =	simm.s32 $0x400;
	v10 =	vld [tilespmem:s21+$0x2270];
	v13 =	vmul.f32 v63, v63;
	v14 =	vsub.f32 v61, v15;
	v5 =	vadd.f32 v62, v58  }
.LBB2_4:
0x7c: {  	p0 =	sne.s32 s22, $0x7E00;
	v15 =	vld [tilespmem:s21+$0x12270]  }
0x7d: {  	v16 =	vld [tilespmem:s21+$0x2200];
	v0 =	vadd.f32 v13, v0;
	v13 =	vmul.f32 v14, v14;
	v8 =	vsub.f32 v8, v11  }
0x7e: {  	v11 =	vld [tilespmem:s21+$0x12200]  }
0x7f: {  	v14 =	vld [tilespmem:s21+$0x2210];
	v4 =	vadd.f32 v13, v4;
	v8 =	vmul.f32 v8, v8;
	v9 =	vsub.f32 v9, v12  }
0x80: {  	v12 =	vld [tilespmem:s21+$0x12210]  }
0x81: {  	v13 =	vld [tilespmem:s21+$0x2220];
	v10 =	vsub.f32 v10, v15;
	v7 =	vadd.f32 v8, v7;
	v8 =	vmul.f32 v9, v9  }
0x82: {  	v9 =	vld [tilespmem:s21+$0x12220]  }
0x83: {  	v11 =	vsub.f32 v16, v11;
	v15 =	vld [tilespmem:s21+$0x2230];
	v10 =	vmul.f32 v10, v10;
	v6 =	vadd.f32 v8, v6  }
0x84: {  	v16 =	vld [tilespmem:s21+$0x12230]  }
0x85: {  	v8 =	vmul.f32 v11, v11;
	v11 =	vsub.f32 v14, v12;
	v14 =	vld [tilespmem:s21+$0x2240];
	v1 =	vadd.f32 v10, v1  }
0x86: {  	v17 =	vld [tilespmem:s21+$0x12240]  }
.Ltmp1:
0x87: {  	v2 =	vadd.f32 v8, v2;
	v10 =	vmul.f32 v11, v11;
	v9 =	vsub.f32 v13, v9;
	v8 =	vld [tilespmem:s21+$0x2250];
	(pc) =	sbr.rel @p0 .LBB2_4-.Ltmp1, $4  }
0x88: {  	v11 =	vld [tilespmem:s21+$0x12250]  }
0x89: {  	v3 =	vadd.f32 v10, v3;
	v13 =	vmul.f32 v9, v9;
	v15 =	vsub.f32 v15, v16;
	v9 =	vld [tilespmem:s21+$0x2260]  }
0x8a: {  	v12 =	vld [tilespmem:s21+$0x12260];
	s21 =	sshra.s32 s22, $0x2  }
0x8b: {  	s22 =	sadd.s32 $0x200, s22;
	v10 =	vld [tilespmem:s21+$0x2270];
	v5 =	vadd.f32 v13, v5;
	v13 =	vmul.f32 v15, v15;
	v14 =	vsub.f32 v14, v17  }
0x8c: {  	v15 =	vld [tilespmem:s21+$0x12270]  }
0x8d: {  	v16 =	vld [tilespmem:s21+$0x2200]  }
0x8e: {  	v17 =	vld [tilespmem:s21+$0x12200]  }
0x8f: {  	v18 =	vld [tilespmem:s21+$0x2210]  }
0x90: {  	v19 =	vld [tilespmem:s21+$0x12210]  }
0x91: {  	v20 =	vld [tilespmem:s21+$0x2220]  }
0x92: {  	v21 =	vld [tilespmem:s21+$0x12220]  }
0x93: {  	v22 =	vld [tilespmem:s21+$0x2230]  }
0x94: {  	v23 =	vld [tilespmem:s21+$0x12230]  }
0x95: {  	v24 =	vld [tilespmem:s21+$0x2240]  }
0x96: {  	v25 =	vld [tilespmem:s21+$0x12240]  }
0x97: {  	v26 =	vld [tilespmem:s21+$0x2250]  }
0x98: {  	v27 =	vld [tilespmem:s21+$0x12250]  }
0x99: {  	v28 =	vld [tilespmem:s21+$0x2260]  }
0x9a: {  	v29 =	vld [tilespmem:s21+$0x12260];
	[tilespmem:s26], [sflag:$0x1] =	stream.indirect.gather [hbm4b:s2+s24], $0x80, s16, s24, $0xb8  }
0x9b: {  	_ =	swait.ge [sflag:s0], $0x2000  }
0x9c: {  	[sflag:s0] =	ssyncset.done $0x0  }
0x9d: {  	[sflag:s0] =	ssyncadd.s32 $0xFFFFE000  }
0x9e: {  	_ =	swait.ge [sflag:s1], $0x2000  }
0x9f: {  	v8 =	vsub.f32 v8, v11;
	[sflag:s1] =	ssyncset.done $0x0  }
0xa0: {  	s22 =	simm.s32 $0x0;
	v11 =	vmul.f32 v14, v14;
	[sflag:s1] =	ssyncadd.s32 $0xFFFFE000  }
0xa1: {  	v8 =	vmul.f32 v8, v8;
	v9 =	vsub.f32 v9, v12;
	v12 =	vld [tilespmem:s22+$0x4270]  }
0xa2: {  	v0 =	vadd.f32 v13, v0;
	v4 =	vadd.f32 v11, v4;
	v11 =	vld [tilespmem:s22+$0x14270]  }
0xa3: {  	v10 =	vsub.f32 v10, v15;
	v7 =	vadd.f32 v8, v7;
	v8 =	vmul.f32 v9, v9;
	v9 =	vld [tilespmem:s22+$0x4200]  }
0xa4: {  	v13 =	vsub.f32 v16, v17;
	v14 =	vsub.f32 v18, v19;
	v15 =	vld [tilespmem:s22+$0x14200]  }
0xa5: {  	v6 =	vadd.f32 v8, v6;
	v8 =	vmul.f32 v10, v10;
	v10 =	vsub.f32 v20, v21;
	v56 =	vld [tilespmem:s22+$0x4210]  }
0xa6: {  	v57 =	vsub.f32 v22, v23;
	v13 =	vmul.f32 v13, v13;
	v14 =	vmul.f32 v14, v14;
	v58 =	vld [tilespmem:s22+$0x14210]  }
0xa7: {  	v59 =	vld [tilespmem:s22+$0x4220];
	v1 =	vadd.f32 v8, v1;
	v8 =	vmul.f32 v10, v10;
	v10 =	vsub.f32 v24, v25  }
0xa8: {  	v2 =	vadd.f32 v13, v2;
	v3 =	vadd.f32 v14, v3;
	v13 =	vmul.f32 v57, v57;
	v14 =	vld [tilespmem:s22+$0x14220]  }
0xa9: {  	v60 =	vld [tilespmem:s22+$0x4230];
	v5 =	vadd.f32 v8, v5;
	v8 =	vmul.f32 v10, v10;
	v10 =	vsub.f32 v26, v27  }
0xaa: {  	v61 =	vld [tilespmem:s22+$0x14230];
	v0 =	vadd.f32 v13, v0;
	v13 =	vsub.f32 v28, v29  }
0xab: {  	v62 =	vld [tilespmem:s22+$0x4240];
	v9 =	vsub.f32 v9, v15;
	v4 =	vadd.f32 v8, v4;
	v8 =	vmul.f32 v10, v10  }
0xac: {  	v15 =	vld [tilespmem:s22+$0x14240];
	v10 =	vsub.f32 v12, v11;
	v11 =	vmul.f32 v13, v13;
	v12 =	vsub.f32 v56, v58  }
0xad: {  	v13 =	vsub.f32 v59, v14;
	v14 =	vmul.f32 v9, v9;
	v7 =	vadd.f32 v8, v7;
	v8 =	vld [tilespmem:s22+$0x4250]  }
0xae: {  	v10 =	vmul.f32 v10, v10;
	v6 =	vadd.f32 v11, v6;
	v12 =	vmul.f32 v12, v12;
	v11 =	vld [tilespmem:s22+$0x14250]  }
0xaf: {  	v63 =	vsub.f32 v60, v61;
	v9 =	vld [tilespmem:s22+$0x4260];
	v13 =	vmul.f32 v13, v13;
	v2 =	vadd.f32 v14, v2  }
0xb0: {  	s21 =	simm.s32 $0x80;
	v1 =	vadd.f32 v10, v1;
	v3 =	vadd.f32 v12, v3;
	v12 =	vld [tilespmem:s22+$0x14260]  }
0xb1: {  	v10 =	vld [tilespmem:s21+$0x4270];
	s22 =	simm.s32 $0x400;
	v14 =	vsub.f32 v62, v15;
	v5 =	vadd.f32 v13, v5;
	v13 =	vmul.f32 v63, v63  }
.LBB2_6:
0xb2: {  	p0 =	sne.s32 s22, $0x7E00;
	v15 =	vld [tilespmem:s21+$0x14270]  }
0xb3: {  	v16 =	vld [tilespmem:s21+$0x4200];
	v0 =	vadd.f32 v13, v0;
	v13 =	vmul.f32 v14, v14;
	v8 =	vsub.f32 v8, v11  }
0xb4: {  	v11 =	vld [tilespmem:s21+$0x14200]  }
0xb5: {  	v14 =	vld [tilespmem:s21+$0x4210];
	v4 =	vadd.f32 v13, v4;
	v8 =	vmul.f32 v8, v8;
	v9 =	vsub.f32 v9, v12  }
0xb6: {  	v12 =	vld [tilespmem:s21+$0x14210]  }
0xb7: {  	v13 =	vld [tilespmem:s21+$0x4220];
	v10 =	vsub.f32 v10, v15;
	v7 =	vadd.f32 v8, v7;
	v8 =	vmul.f32 v9, v9  }
0xb8: {  	v9 =	vld [tilespmem:s21+$0x14220]  }
0xb9: {  	v11 =	vsub.f32 v16, v11;
	v15 =	vld [tilespmem:s21+$0x4230];
	v10 =	vmul.f32 v10, v10;
	v6 =	vadd.f32 v8, v6  }
0xba: {  	v16 =	vld [tilespmem:s21+$0x14230]  }
0xbb: {  	v8 =	vmul.f32 v11, v11;
	v11 =	vsub.f32 v14, v12;
	v14 =	vld [tilespmem:s21+$0x4240];
	v1 =	vadd.f32 v10, v1  }
0xbc: {  	v17 =	vld [tilespmem:s21+$0x14240]  }
.Ltmp2:
0xbd: {  	v2 =	vadd.f32 v8, v2;
	v10 =	vmul.f32 v11, v11;
	v9 =	vsub.f32 v13, v9;
	v8 =	vld [tilespmem:s21+$0x4250];
	(pc) =	sbr.rel @p0 .LBB2_6-.Ltmp2, $4  }
0xbe: {  	v11 =	vld [tilespmem:s21+$0x14250]  }
0xbf: {  	v3 =	vadd.f32 v10, v3;
	v13 =	vmul.f32 v9, v9;
	v15 =	vsub.f32 v15, v16;
	v9 =	vld [tilespmem:s21+$0x4260]  }
0xc0: {  	v12 =	vld [tilespmem:s21+$0x14260];
	s21 =	sshra.s32 s22, $0x2  }
0xc1: {  	s22 =	sadd.s32 $0x200, s22;
	v10 =	vld [tilespmem:s21+$0x4270];
	v5 =	vadd.f32 v13, v5;
	v13 =	vmul.f32 v15, v15;
	v14 =	vsub.f32 v14, v17  }
0xc2: {  	v15 =	vld [tilespmem:s21+$0x14270]  }
0xc3: {  	v16 =	vld [tilespmem:s21+$0x4200]  }
0xc4: {  	v17 =	vld [tilespmem:s21+$0x14200]  }
0xc5: {  	v18 =	vld [tilespmem:s21+$0x4210]  }
0xc6: {  	v19 =	vld [tilespmem:s21+$0x14210]  }
0xc7: {  	v20 =	vld [tilespmem:s21+$0x4220]  }
0xc8: {  	v21 =	vld [tilespmem:s21+$0x14220]  }
0xc9: {  	v22 =	vld [tilespmem:s21+$0x4230]  }
0xca: {  	v23 =	vld [tilespmem:s21+$0x14230]  }
0xcb: {  	v24 =	vld [tilespmem:s21+$0x4240]  }
0xcc: {  	v25 =	vld [tilespmem:s21+$0x14240]  }
0xcd: {  	v26 =	vld [tilespmem:s21+$0x4250]  }
0xce: {  	v27 =	vld [tilespmem:s21+$0x14250]  }
0xcf: {  	v28 =	vld [tilespmem:s21+$0x4260]  }
0xd0: {  	v29 =	vld [tilespmem:s21+$0x14260];
	[tilespmem:s29], [sflag:$0x1] =	stream.indirect.gather [hbm4b:s2+s24], $0x80, s17, s24, $0xb8  }
0xd1: {  	_ =	swait.ge [sflag:s0], $0x2000  }
0xd2: {  	[sflag:s0] =	ssyncset.done $0x0  }
0xd3: {  	[sflag:s0] =	ssyncadd.s32 $0xFFFFE000  }
0xd4: {  	_ =	swait.ge [sflag:s1], $0x2000  }
0xd5: {  	v8 =	vsub.f32 v8, v11;
	[sflag:s1] =	ssyncset.done $0x0  }
0xd6: {  	s22 =	simm.s32 $0x0;
	v11 =	vmul.f32 v14, v14;
	[sflag:s1] =	ssyncadd.s32 $0xFFFFE000  }
0xd7: {  	v8 =	vmul.f32 v8, v8;
	v9 =	vsub.f32 v9, v12;
	v12 =	vld [tilespmem:s22+$0x6270]  }
0xd8: {  	v0 =	vadd.f32 v13, v0;
	v4 =	vadd.f32 v11, v4;
	v11 =	vld [tilespmem:s22+$0x16270]  }
0xd9: {  	v10 =	vsub.f32 v10, v15;
	v7 =	vadd.f32 v8, v7;
	v8 =	vmul.f32 v9, v9;
	v9 =	vld [tilespmem:s22+$0x6200]  }
0xda: {  	v13 =	vsub.f32 v16, v17;
	v14 =	vsub.f32 v18, v19;
	v15 =	vld [tilespmem:s22+$0x16200]  }
0xdb: {  	v6 =	vadd.f32 v8, v6;
	v8 =	vmul.f32 v10, v10;
	v10 =	vsub.f32 v20, v21;
	v56 =	vld [tilespmem:s22+$0x6210]  }
0xdc: {  	v57 =	vsub.f32 v22, v23;
	v13 =	vmul.f32 v13, v13;
	v14 =	vmul.f32 v14, v14;
	v58 =	vld [tilespmem:s22+$0x16210]  }
0xdd: {  	v59 =	vld [tilespmem:s22+$0x6220];
	v1 =	vadd.f32 v8, v1;
	v8 =	vmul.f32 v10, v10;
	v10 =	vsub.f32 v24, v25  }
0xde: {  	v2 =	vadd.f32 v13, v2;
	v3 =	vadd.f32 v14, v3;
	v13 =	vmul.f32 v57, v57;
	v14 =	vld [tilespmem:s22+$0x16220]  }
0xdf: {  	v60 =	vld [tilespmem:s22+$0x6230];
	v5 =	vadd.f32 v8, v5;
	v8 =	vmul.f32 v10, v10;
	v10 =	vsub.f32 v26, v27  }
0xe0: {  	v61 =	vld [tilespmem:s22+$0x16230];
	v0 =	vadd.f32 v13, v0;
	v13 =	vsub.f32 v28, v29  }
0xe1: {  	v62 =	vld [tilespmem:s22+$0x6240];
	v9 =	vsub.f32 v9, v15;
	v4 =	vadd.f32 v8, v4;
	v8 =	vmul.f32 v10, v10  }
0xe2: {  	v15 =	vld [tilespmem:s22+$0x16240];
	v10 =	vsub.f32 v12, v11;
	v11 =	vmul.f32 v13, v13;
	v12 =	vsub.f32 v56, v58  }
0xe3: {  	v13 =	vsub.f32 v59, v14;
	v14 =	vmul.f32 v9, v9;
	v7 =	vadd.f32 v8, v7;
	v8 =	vld [tilespmem:s22+$0x6250]  }
0xe4: {  	v10 =	vmul.f32 v10, v10;
	v6 =	vadd.f32 v11, v6;
	v12 =	vmul.f32 v12, v12;
	v11 =	vld [tilespmem:s22+$0x16250]  }
0xe5: {  	v63 =	vsub.f32 v60, v61;
	v9 =	vld [tilespmem:s22+$0x6260];
	v13 =	vmul.f32 v13, v13;
	v2 =	vadd.f32 v14, v2  }
0xe6: {  	s21 =	simm.s32 $0x80;
	v1 =	vadd.f32 v10, v1;
	v3 =	vadd.f32 v12, v3;
	v12 =	vld [tilespmem:s22+$0x16260]  }
0xe7: {  	v10 =	vld [tilespmem:s21+$0x6270];
	s22 =	simm.s32 $0x400;
	v14 =	vsub.f32 v62, v15;
	v5 =	vadd.f32 v13, v5;
	v13 =	vmul.f32 v63, v63  }
.LBB2_8:
0xe8: {  	p0 =	sne.s32 s22, $0x7E00;
	v15 =	vld [tilespmem:s21+$0x16270]  }
0xe9: {  	v16 =	vld [tilespmem:s21+$0x6200];
	v0 =	vadd.f32 v13, v0;
	v13 =	vmul.f32 v14, v14;
	v8 =	vsub.f32 v8, v11  }
0xea: {  	v11 =	vld [tilespmem:s21+$0x16200]  }
0xeb: {  	v14 =	vld [tilespmem:s21+$0x6210];
	v4 =	vadd.f32 v13, v4;
	v8 =	vmul.f32 v8, v8;
	v9 =	vsub.f32 v9, v12  }
0xec: {  	v12 =	vld [tilespmem:s21+$0x16210]  }
0xed: {  	v13 =	vld [tilespmem:s21+$0x6220];
	v10 =	vsub.f32 v10, v15;
	v7 =	vadd.f32 v8, v7;
	v8 =	vmul.f32 v9, v9  }
0xee: {  	v9 =	vld [tilespmem:s21+$0x16220]  }
0xef: {  	v11 =	vsub.f32 v16, v11;
	v15 =	vld [tilespmem:s21+$0x6230];
	v10 =	vmul.f32 v10, v10;
	v6 =	vadd.f32 v8, v6  }
0xf0: {  	v16 =	vld [tilespmem:s21+$0x16230]  }
0xf1: {  	v8 =	vmul.f32 v11, v11;
	v11 =	vsub.f32 v14, v12;
	v14 =	vld [tilespmem:s21+$0x6240];
	v1 =	vadd.f32 v10, v1  }
0xf2: {  	v17 =	vld [tilespmem:s21+$0x16240]  }
.Ltmp3:
0xf3: {  	v2 =	vadd.f32 v8, v2;
	v10 =	vmul.f32 v11, v11;
	v9 =	vsub.f32 v13, v9;
	v8 =	vld [tilespmem:s21+$0x6250];
	(pc) =	sbr.rel @p0 .LBB2_8-.Ltmp3, $4  }
0xf4: {  	v11 =	vld [tilespmem:s21+$0x16250]  }
0xf5: {  	v3 =	vadd.f32 v10, v3;
	v13 =	vmul.f32 v9, v9;
	v15 =	vsub.f32 v15, v16;
	v9 =	vld [tilespmem:s21+$0x6260]  }
0xf6: {  	v12 =	vld [tilespmem:s21+$0x16260];
	s21 =	sshra.s32 s22, $0x2  }
0xf7: {  	s22 =	sadd.s32 $0x200, s22;
	v10 =	vld [tilespmem:s21+$0x6270];
	v5 =	vadd.f32 v13, v5;
	v13 =	vmul.f32 v15, v15;
	v14 =	vsub.f32 v14, v17  }
0xf8: {  	v15 =	vld [tilespmem:s21+$0x16270]  }
0xf9: {  	v16 =	vld [tilespmem:s21+$0x6200]  }
0xfa: {  	v17 =	vld [tilespmem:s21+$0x16200]  }
0xfb: {  	v18 =	vld [tilespmem:s21+$0x6210]  }
0xfc: {  	v19 =	vld [tilespmem:s21+$0x16210]  }
0xfd: {  	v20 =	vld [tilespmem:s21+$0x6220]  }
0xfe: {  	v21 =	vld [tilespmem:s21+$0x16220]  }
0xff: {  	v22 =	vld [tilespmem:s21+$0x6230]  }
0x100: {  	v23 =	vld [tilespmem:s21+$0x16230]  }
0x101: {  	v24 =	vld [tilespmem:s21+$0x6240]  }
0x102: {  	v25 =	vld [tilespmem:s21+$0x16240]  }
0x103: {  	v26 =	vld [tilespmem:s21+$0x6250]  }
0x104: {  	v27 =	vld [tilespmem:s21+$0x16250]  }
0x105: {  	v28 =	vld [tilespmem:s21+$0x6260]  }
0x106: {  	v29 =	vld [tilespmem:s21+$0x16260];
	[tilespmem:s31], [sflag:$0x1] =	stream.indirect.gather [hbm4b:s2+s24], $0x80, s18, s24, $0xb8  }
0x107: {  	_ =	swait.ge [sflag:s0], $0x2000  }
0x108: {  	[sflag:s0] =	ssyncset.done $0x0  }
0x109: {  	[sflag:s0] =	ssyncadd.s32 $0xFFFFE000  }
0x10a: {  	_ =	swait.ge [sflag:s1], $0x2000  }
0x10b: {  	v8 =	vsub.f32 v8, v11;
	[sflag:s1] =	ssyncset.done $0x0  }
0x10c: {  	s22 =	simm.s32 $0x0;
	v11 =	vmul.f32 v14, v14;
	[sflag:s1] =	ssyncadd.s32 $0xFFFFE000  }
0x10d: {  	v8 =	vmul.f32 v8, v8;
	v9 =	vsub.f32 v9, v12;
	v12 =	vld [tilespmem:s22+$0x8270]  }
0x10e: {  	v0 =	vadd.f32 v13, v0;
	v4 =	vadd.f32 v11, v4;
	v11 =	vld [tilespmem:s22+$0x10270]  }
0x10f: {  	v10 =	vsub.f32 v10, v15;
	v7 =	vadd.f32 v8, v7;
	v8 =	vmul.f32 v9, v9;
	v9 =	vld [tilespmem:s22+$0x8200]  }
0x110: {  	v13 =	vsub.f32 v16, v17;
	v14 =	vsub.f32 v18, v19;
	v15 =	vld [tilespmem:s22+$0x10200]  }
0x111: {  	v6 =	vadd.f32 v8, v6;
	v8 =	vmul.f32 v10, v10;
	v10 =	vsub.f32 v20, v21;
	v56 =	vld [tilespmem:s22+$0x8210]  }
0x112: {  	v57 =	vsub.f32 v22, v23;
	v13 =	vmul.f32 v13, v13;
	v14 =	vmul.f32 v14, v14;
	v58 =	vld [tilespmem:s22+$0x10210]  }
0x113: {  	v59 =	vld [tilespmem:s22+$0x8220];
	v1 =	vadd.f32 v8, v1;
	v8 =	vmul.f32 v10, v10;
	v10 =	vsub.f32 v24, v25  }
0x114: {  	v2 =	vadd.f32 v13, v2;
	v3 =	vadd.f32 v14, v3;
	v13 =	vmul.f32 v57, v57;
	v14 =	vld [tilespmem:s22+$0x10220]  }
0x115: {  	v60 =	vld [tilespmem:s22+$0x8230];
	v5 =	vadd.f32 v8, v5;
	v8 =	vmul.f32 v10, v10;
	v10 =	vsub.f32 v26, v27  }
0x116: {  	v61 =	vld [tilespmem:s22+$0x10230];
	v0 =	vadd.f32 v13, v0;
	v13 =	vsub.f32 v28, v29  }
0x117: {  	v62 =	vld [tilespmem:s22+$0x8240];
	v9 =	vsub.f32 v9, v15;
	v4 =	vadd.f32 v8, v4;
	v8 =	vmul.f32 v10, v10  }
0x118: {  	v15 =	vld [tilespmem:s22+$0x10240];
	v10 =	vsub.f32 v12, v11;
	v11 =	vmul.f32 v13, v13;
	v12 =	vsub.f32 v56, v58  }
0x119: {  	v13 =	vsub.f32 v59, v14;
	v14 =	vmul.f32 v9, v9;
	v7 =	vadd.f32 v8, v7;
	v8 =	vld [tilespmem:s22+$0x8250]  }
0x11a: {  	v10 =	vmul.f32 v10, v10;
	v6 =	vadd.f32 v11, v6;
	v12 =	vmul.f32 v12, v12;
	v11 =	vld [tilespmem:s22+$0x10250]  }
0x11b: {  	v63 =	vsub.f32 v60, v61;
	v9 =	vld [tilespmem:s22+$0x8260];
	v13 =	vmul.f32 v13, v13;
	v2 =	vadd.f32 v14, v2  }
0x11c: {  	s21 =	simm.s32 $0x80;
	v1 =	vadd.f32 v10, v1;
	v3 =	vadd.f32 v12, v3;
	v12 =	vld [tilespmem:s22+$0x10260]  }
0x11d: {  	v10 =	vld [tilespmem:s21+$0x8270];
	s22 =	simm.s32 $0x400;
	v14 =	vsub.f32 v62, v15;
	v5 =	vadd.f32 v13, v5;
	v13 =	vmul.f32 v63, v63  }
.LBB2_10:
0x11e: {  	p0 =	sne.s32 s22, $0x7E00;
	v15 =	vld [tilespmem:s21+$0x10270]  }
0x11f: {  	v16 =	vld [tilespmem:s21+$0x8200];
	v0 =	vadd.f32 v13, v0;
	v13 =	vmul.f32 v14, v14;
	v8 =	vsub.f32 v8, v11  }
0x120: {  	v11 =	vld [tilespmem:s21+$0x10200]  }
0x121: {  	v14 =	vld [tilespmem:s21+$0x8210];
	v4 =	vadd.f32 v13, v4;
	v8 =	vmul.f32 v8, v8;
	v9 =	vsub.f32 v9, v12  }
0x122: {  	v12 =	vld [tilespmem:s21+$0x10210]  }
0x123: {  	v13 =	vld [tilespmem:s21+$0x8220];
	v10 =	vsub.f32 v10, v15;
	v7 =	vadd.f32 v8, v7;
	v8 =	vmul.f32 v9, v9  }
0x124: {  	v9 =	vld [tilespmem:s21+$0x10220]  }
0x125: {  	v11 =	vsub.f32 v16, v11;
	v15 =	vld [tilespmem:s21+$0x8230];
	v10 =	vmul.f32 v10, v10;
	v6 =	vadd.f32 v8, v6  }
0x126: {  	v16 =	vld [tilespmem:s21+$0x10230]  }
0x127: {  	v8 =	vmul.f32 v11, v11;
	v11 =	vsub.f32 v14, v12;
	v14 =	vld [tilespmem:s21+$0x8240];
	v1 =	vadd.f32 v10, v1  }
0x128: {  	v17 =	vld [tilespmem:s21+$0x10240]  }
.Ltmp4:
0x129: {  	v2 =	vadd.f32 v8, v2;
	v10 =	vmul.f32 v11, v11;
	v9 =	vsub.f32 v13, v9;
	v8 =	vld [tilespmem:s21+$0x8250];
	(pc) =	sbr.rel @p0 .LBB2_10-.Ltmp4, $4  }
0x12a: {  	v11 =	vld [tilespmem:s21+$0x10250]  }
0x12b: {  	v3 =	vadd.f32 v10, v3;
	v13 =	vmul.f32 v9, v9;
	v15 =	vsub.f32 v15, v16;
	v9 =	vld [tilespmem:s21+$0x8260]  }
0x12c: {  	v12 =	vld [tilespmem:s21+$0x10260];
	s21 =	sshra.s32 s22, $0x2  }
0x12d: {  	s22 =	sadd.s32 $0x200, s22;
	v10 =	vld [tilespmem:s21+$0x8270];
	v5 =	vadd.f32 v13, v5;
	v13 =	vmul.f32 v15, v15;
	v14 =	vsub.f32 v14, v17  }
0x12e: {  	v15 =	vld [tilespmem:s21+$0x10270]  }
0x12f: {  	v16 =	vld [tilespmem:s21+$0x8200]  }
0x130: {  	v17 =	vld [tilespmem:s21+$0x10200]  }
0x131: {  	v18 =	vld [tilespmem:s21+$0x8210]  }
0x132: {  	v19 =	vld [tilespmem:s21+$0x10210]  }
0x133: {  	v20 =	vld [tilespmem:s21+$0x8220]  }
0x134: {  	v21 =	vld [tilespmem:s21+$0x10220]  }
0x135: {  	v22 =	vld [tilespmem:s21+$0x8230]  }
0x136: {  	v23 =	vld [tilespmem:s21+$0x10230]  }
0x137: {  	v24 =	vld [tilespmem:s21+$0x8240]  }
0x138: {  	v25 =	vld [tilespmem:s21+$0x10240]  }
0x139: {  	v26 =	vld [tilespmem:s21+$0x8250]  }
0x13a: {  	v27 =	vld [tilespmem:s21+$0x10250]  }
0x13b: {  	v28 =	vld [tilespmem:s21+$0x8260]  }
0x13c: {  	v29 =	vld [tilespmem:s21+$0x10260];
	_ =	swait.ge [sflag:s0], $0x2000  }
0x13d: {  	[sflag:s0] =	ssyncset.done $0x0  }
0x13e: {  	[sflag:s0] =	ssyncadd.s32 $0xFFFFE000  }
0x13f: {  	_ =	swait.ge [sflag:s1], $0x2000  }
0x140: {  	v8 =	vsub.f32 v8, v11;
	[sflag:s1] =	ssyncset.done $0x0  }
0x141: {  	s22 =	simm.s32 $0x0;
	v11 =	vmul.f32 v14, v14;
	[sflag:s1] =	ssyncadd.s32 $0xFFFFE000  }
0x142: {  	v8 =	vmul.f32 v8, v8;
	v9 =	vsub.f32 v9, v12;
	v12 =	vld [tilespmem:s22+$0xA270]  }
0x143: {  	v4 =	vadd.f32 v11, v4;
	v11 =	vld [tilespmem:s22+$0x12270]  }
0x144: {  	v7 =	vadd.f32 v8, v7;
	v8 =	vmul.f32 v9, v9;
	v9 =	vld [tilespmem:s22+$0xA200]  }
0x145: {  	v0 =	vadd.f32 v13, v0;
	v10 =	vsub.f32 v10, v15;
	v15 =	vld [tilespmem:s22+$0x12200]  }
0x146: {  	v13 =	vsub.f32 v16, v17;
	v14 =	vsub.f32 v18, v19;
	v56 =	vld [tilespmem:s22+$0xA210]  }
0x147: {  	v58 =	vld [tilespmem:s22+$0x12210];
	v6 =	vadd.f32 v8, v6;
	v8 =	vmul.f32 v10, v10;
	v10 =	vsub.f32 v20, v21  }
0x148: {  	v57 =	vsub.f32 v22, v23;
	v59 =	vld [tilespmem:s22+$0xA220];
	v13 =	vmul.f32 v13, v13;
	v14 =	vmul.f32 v14, v14  }
0x149: {  	v60 =	vld [tilespmem:s22+$0xA230];
	v1 =	vadd.f32 v8, v1;
	v8 =	vmul.f32 v10, v10;
	v10 =	vsub.f32 v24, v25  }
0x14a: {  	v2 =	vadd.f32 v13, v2;
	v3 =	vadd.f32 v14, v3;
	v13 =	vmul.f32 v57, v57;
	v14 =	vld [tilespmem:s22+$0x12220]  }
0x14b: {  	v61 =	vld [tilespmem:s22+$0x12230];
	v5 =	vadd.f32 v8, v5;
	v8 =	vmul.f32 v10, v10;
	v10 =	vsub.f32 v26, v27  }
0x14c: {  	v62 =	vld [tilespmem:s22+$0xA240];
	v0 =	vadd.f32 v13, v0;
	v13 =	vsub.f32 v28, v29  }
0x14d: {  	v9 =	vsub.f32 v9, v15;
	v15 =	vld [tilespmem:s22+$0x12240];
	v4 =	vadd.f32 v8, v4;
	v8 =	vmul.f32 v10, v10  }
0x14e: {  	v10 =	vsub.f32 v12, v11;
	v11 =	vmul.f32 v13, v13;
	v12 =	vsub.f32 v56, v58  }
0x14f: {  	v13 =	vsub.f32 v59, v14;
	v14 =	vmul.f32 v9, v9;
	v7 =	vadd.f32 v8, v7;
	v8 =	vld [tilespmem:s22+$0xA250]  }
0x150: {  	v63 =	vsub.f32 v60, v61;
	v6 =	vadd.f32 v11, v6;
	v12 =	vmul.f32 v12, v12;
	v11 =	vld [tilespmem:s22+$0x12250]  }
0x151: {  	v9 =	vld [tilespmem:s22+$0xA260];
	v10 =	vmul.f32 v10, v10;
	v13 =	vmul.f32 v13, v13;
	v2 =	vadd.f32 v14, v2  }
0x152: {  	s21 =	simm.s32 $0x80;
	v14 =	vsub.f32 v62, v15;
	v3 =	vadd.f32 v12, v3;
	v12 =	vld [tilespmem:s22+$0x12260]  }
0x153: {  	v1 =	vadd.f32 v10, v1;
	v10 =	vld [tilespmem:s21+$0xA270];
	s22 =	simm.s32 $0x400;
	v5 =	vadd.f32 v13, v5;
	v13 =	vmul.f32 v63, v63  }
.LBB2_12:
0x154: {  	p0 =	sne.s32 s22, $0x7E00;
	v15 =	vld [tilespmem:s21+$0x12270]  }
0x155: {  	v16 =	vld [tilespmem:s21+$0xA200];
	v0 =	vadd.f32 v13, v0;
	v13 =	vmul.f32 v14, v14;
	v8 =	vsub.f32 v8, v11  }
0x156: {  	v11 =	vld [tilespmem:s21+$0x12200]  }
0x157: {  	v14 =	vld [tilespmem:s21+$0xA210];
	v4 =	vadd.f32 v13, v4;
	v8 =	vmul.f32 v8, v8;
	v9 =	vsub.f32 v9, v12  }
0x158: {  	v12 =	vld [tilespmem:s21+$0x12210]  }
0x159: {  	v13 =	vld [tilespmem:s21+$0xA220];
	v10 =	vsub.f32 v10, v15;
	v7 =	vadd.f32 v8, v7;
	v8 =	vmul.f32 v9, v9  }
0x15a: {  	v9 =	vld [tilespmem:s21+$0x12220]  }
0x15b: {  	v11 =	vsub.f32 v16, v11;
	v15 =	vld [tilespmem:s21+$0xA230];
	v10 =	vmul.f32 v10, v10;
	v6 =	vadd.f32 v8, v6  }
0x15c: {  	v16 =	vld [tilespmem:s21+$0x12230]  }
0x15d: {  	v8 =	vmul.f32 v11, v11;
	v11 =	vsub.f32 v14, v12;
	v14 =	vld [tilespmem:s21+$0xA240];
	v1 =	vadd.f32 v10, v1  }
0x15e: {  	v17 =	vld [tilespmem:s21+$0x12240]  }
.Ltmp5:
0x15f: {  	v2 =	vadd.f32 v8, v2;
	v10 =	vmul.f32 v11, v11;
	v9 =	vsub.f32 v13, v9;
	v8 =	vld [tilespmem:s21+$0xA250];
	(pc) =	sbr.rel @p0 .LBB2_12-.Ltmp5, $4  }
0x160: {  	v11 =	vld [tilespmem:s21+$0x12250]  }
0x161: {  	v3 =	vadd.f32 v10, v3;
	v13 =	vmul.f32 v9, v9;
	v15 =	vsub.f32 v15, v16;
	v9 =	vld [tilespmem:s21+$0xA260]  }
0x162: {  	v12 =	vld [tilespmem:s21+$0x12260];
	s21 =	sshra.s32 s22, $0x2  }
0x163: {  	s22 =	sadd.s32 $0x200, s22;
	v10 =	vld [tilespmem:s21+$0xA270];
	v5 =	vadd.f32 v13, v5;
	v13 =	vmul.f32 v15, v15;
	v14 =	vsub.f32 v14, v17  }
0x164: {  	v15 =	vld [tilespmem:s21+$0x12270]  }
0x165: {  	v16 =	vld [tilespmem:s21+$0xA200]  }
0x166: {  	v17 =	vld [tilespmem:s21+$0x12200]  }
0x167: {  	v18 =	vld [tilespmem:s21+$0xA210]  }
0x168: {  	v19 =	vld [tilespmem:s21+$0x12210]  }
0x169: {  	v20 =	vld [tilespmem:s21+$0xA220]  }
0x16a: {  	v21 =	vld [tilespmem:s21+$0x12220]  }
0x16b: {  	v22 =	vld [tilespmem:s21+$0xA230]  }
0x16c: {  	v23 =	vld [tilespmem:s21+$0x12230]  }
0x16d: {  	v24 =	vld [tilespmem:s21+$0xA240]  }
0x16e: {  	v25 =	vld [tilespmem:s21+$0x12240]  }
0x16f: {  	v26 =	vld [tilespmem:s21+$0xA250]  }
0x170: {  	v27 =	vld [tilespmem:s21+$0x12250]  }
0x171: {  	v28 =	vld [tilespmem:s21+$0xA260]  }
0x172: {  	v29 =	vld [tilespmem:s21+$0x12260];
	_ =	swait.ge [sflag:s0], $0x2000  }
0x173: {  	[sflag:s0] =	ssyncset.done $0x0  }
0x174: {  	[sflag:s0] =	ssyncadd.s32 $0xFFFFE000  }
0x175: {  	_ =	swait.ge [sflag:s1], $0x2000  }
0x176: {  	v8 =	vsub.f32 v8, v11;
	[sflag:s1] =	ssyncset.done $0x0  }
0x177: {  	s22 =	simm.s32 $0x0;
	v11 =	vmul.f32 v14, v14;
	[sflag:s1] =	ssyncadd.s32 $0xFFFFE000  }
0x178: {  	v8 =	vmul.f32 v8, v8;
	v9 =	vsub.f32 v9, v12;
	v12 =	vld [tilespmem:s22+$0xC270]  }
0x179: {  	v4 =	vadd.f32 v11, v4;
	v11 =	vld [tilespmem:s22+$0x14270]  }
0x17a: {  	v7 =	vadd.f32 v8, v7;
	v8 =	vmul.f32 v9, v9;
	v9 =	vld [tilespmem:s22+$0xC200]  }
0x17b: {  	v0 =	vadd.f32 v13, v0;
	v10 =	vsub.f32 v10, v15;
	v15 =	vld [tilespmem:s22+$0x14200]  }
0x17c: {  	v13 =	vsub.f32 v16, v17;
	v14 =	vsub.f32 v18, v19;
	v56 =	vld [tilespmem:s22+$0xC210]  }
0x17d: {  	v58 =	vld [tilespmem:s22+$0x14210];
	v6 =	vadd.f32 v8, v6;
	v8 =	vmul.f32 v10, v10;
	v10 =	vsub.f32 v20, v21  }
0x17e: {  	v57 =	vsub.f32 v22, v23;
	v59 =	vld [tilespmem:s22+$0xC220];
	v13 =	vmul.f32 v13, v13;
	v14 =	vmul.f32 v14, v14  }
0x17f: {  	v60 =	vld [tilespmem:s22+$0xC230];
	v1 =	vadd.f32 v8, v1;
	v8 =	vmul.f32 v10, v10;
	v10 =	vsub.f32 v24, v25  }
0x180: {  	v2 =	vadd.f32 v13, v2;
	v3 =	vadd.f32 v14, v3;
	v13 =	vmul.f32 v57, v57;
	v14 =	vld [tilespmem:s22+$0x14220]  }
0x181: {  	v61 =	vld [tilespmem:s22+$0x14230];
	v5 =	vadd.f32 v8, v5;
	v8 =	vmul.f32 v10, v10;
	v10 =	vsub.f32 v26, v27  }
0x182: {  	v62 =	vld [tilespmem:s22+$0xC240];
	v0 =	vadd.f32 v13, v0;
	v13 =	vsub.f32 v28, v29  }
0x183: {  	v9 =	vsub.f32 v9, v15;
	v15 =	vld [tilespmem:s22+$0x14240];
	v4 =	vadd.f32 v8, v4;
	v8 =	vmul.f32 v10, v10  }
0x184: {  	v10 =	vsub.f32 v12, v11;
	v11 =	vmul.f32 v13, v13;
	v12 =	vsub.f32 v56, v58  }
0x185: {  	v13 =	vsub.f32 v59, v14;
	v14 =	vmul.f32 v9, v9;
	v7 =	vadd.f32 v8, v7;
	v8 =	vld [tilespmem:s22+$0xC250]  }
0x186: {  	v63 =	vsub.f32 v60, v61;
	v6 =	vadd.f32 v11, v6;
	v12 =	vmul.f32 v12, v12;
	v11 =	vld [tilespmem:s22+$0x14250]  }
0x187: {  	v9 =	vld [tilespmem:s22+$0xC260];
	v10 =	vmul.f32 v10, v10;
	v13 =	vmul.f32 v13, v13;
	v2 =	vadd.f32 v14, v2  }
0x188: {  	s21 =	simm.s32 $0x80;
	v14 =	vsub.f32 v62, v15;
	v3 =	vadd.f32 v12, v3;
	v12 =	vld [tilespmem:s22+$0x14260]  }
0x189: {  	v1 =	vadd.f32 v10, v1;
	v10 =	vld [tilespmem:s21+$0xC270];
	s22 =	simm.s32 $0x400;
	v5 =	vadd.f32 v13, v5;
	v13 =	vmul.f32 v63, v63  }
.LBB2_14:
0x18a: {  	p0 =	sne.s32 s22, $0x7E00;
	v15 =	vld [tilespmem:s21+$0x14270]  }
0x18b: {  	v16 =	vld [tilespmem:s21+$0xC200];
	v0 =	vadd.f32 v13, v0;
	v13 =	vmul.f32 v14, v14;
	v8 =	vsub.f32 v8, v11  }
0x18c: {  	v11 =	vld [tilespmem:s21+$0x14200]  }
0x18d: {  	v14 =	vld [tilespmem:s21+$0xC210];
	v4 =	vadd.f32 v13, v4;
	v8 =	vmul.f32 v8, v8;
	v9 =	vsub.f32 v9, v12  }
0x18e: {  	v12 =	vld [tilespmem:s21+$0x14210]  }
0x18f: {  	v13 =	vld [tilespmem:s21+$0xC220];
	v10 =	vsub.f32 v10, v15;
	v7 =	vadd.f32 v8, v7;
	v8 =	vmul.f32 v9, v9  }
0x190: {  	v9 =	vld [tilespmem:s21+$0x14220]  }
0x191: {  	v11 =	vsub.f32 v16, v11;
	v15 =	vld [tilespmem:s21+$0xC230];
	v10 =	vmul.f32 v10, v10;
	v6 =	vadd.f32 v8, v6  }
0x192: {  	v16 =	vld [tilespmem:s21+$0x14230]  }
0x193: {  	v8 =	vmul.f32 v11, v11;
	v11 =	vsub.f32 v14, v12;
	v14 =	vld [tilespmem:s21+$0xC240];
	v1 =	vadd.f32 v10, v1  }
0x194: {  	v17 =	vld [tilespmem:s21+$0x14240]  }
.Ltmp6:
0x195: {  	v2 =	vadd.f32 v8, v2;
	v10 =	vmul.f32 v11, v11;
	v9 =	vsub.f32 v13, v9;
	v8 =	vld [tilespmem:s21+$0xC250];
	(pc) =	sbr.rel @p0 .LBB2_14-.Ltmp6, $4  }
0x196: {  	v11 =	vld [tilespmem:s21+$0x14250]  }
0x197: {  	v3 =	vadd.f32 v10, v3;
	v13 =	vmul.f32 v9, v9;
	v15 =	vsub.f32 v15, v16;
	v9 =	vld [tilespmem:s21+$0xC260]  }
0x198: {  	v12 =	vld [tilespmem:s21+$0x14260];
	s21 =	sshra.s32 s22, $0x2  }
0x199: {  	s22 =	sadd.s32 $0x200, s22;
	v10 =	vld [tilespmem:s21+$0xC270];
	v5 =	vadd.f32 v13, v5;
	v13 =	vmul.f32 v15, v15;
	v14 =	vsub.f32 v14, v17  }
0x19a: {  	v15 =	vld [tilespmem:s21+$0x14270]  }
0x19b: {  	v16 =	vld [tilespmem:s21+$0xC200]  }
0x19c: {  	v17 =	vld [tilespmem:s21+$0x14200]  }
0x19d: {  	v18 =	vld [tilespmem:s21+$0xC210]  }
0x19e: {  	v19 =	vld [tilespmem:s21+$0x14210]  }
0x19f: {  	v20 =	vld [tilespmem:s21+$0xC220]  }
0x1a0: {  	v21 =	vld [tilespmem:s21+$0x14220]  }
0x1a1: {  	v22 =	vld [tilespmem:s21+$0xC230]  }
0x1a2: {  	v23 =	vld [tilespmem:s21+$0x14230]  }
0x1a3: {  	v24 =	vld [tilespmem:s21+$0xC240]  }
0x1a4: {  	v25 =	vld [tilespmem:s21+$0x14240]  }
0x1a5: {  	v26 =	vld [tilespmem:s21+$0xC250]  }
0x1a6: {  	v27 =	vld [tilespmem:s21+$0x14250]  }
0x1a7: {  	v28 =	vld [tilespmem:s21+$0xC260]  }
0x1a8: {  	v29 =	vld [tilespmem:s21+$0x14260];
	_ =	swait.ge [sflag:s0], $0x2000  }
0x1a9: {  	[sflag:s0] =	ssyncset.done $0x0  }
0x1aa: {  	[sflag:s0] =	ssyncadd.s32 $0xFFFFE000  }
0x1ab: {  	v8 =	vsub.f32 v8, v11;
	_ =	swait.ge [sflag:s1], $0x2000  }
0x1ac: {  	v11 =	vmul.f32 v14, v14;
	[sflag:s1] =	ssyncset.done $0x0  }
0x1ad: {  	s22 =	simm.s32 $0x0;
	v8 =	vmul.f32 v8, v8;
	v9 =	vsub.f32 v9, v12;
	[sflag:s1] =	ssyncadd.s32 $0xFFFFE000  }
0x1ae: {  	v0 =	vadd.f32 v13, v0;
	v11 =	vadd.f32 v11, v4;
	v12 =	vld [tilespmem:s22+$0xE270]  }
0x1af: {  	v4 =	vsub.f32 v10, v15;
	v7 =	vadd.f32 v8, v7;
	v8 =	vmul.f32 v9, v9;
	v13 =	vld [tilespmem:s22+$0x16270]  }
0x1b0: {  	v10 =	vsub.f32 v16, v17;
	v14 =	vsub.f32 v18, v19;
	v9 =	vld [tilespmem:s22+$0xE200]  }
0x1b1: {  	v15 =	vld [tilespmem:s22+$0x16200];
	v6 =	vadd.f32 v8, v6;
	v4 =	vmul.f32 v4, v4;
	v8 =	vsub.f32 v20, v21  }
0x1b2: {  	v55 =	vsub.f32 v22, v23;
	v54 =	vld [tilespmem:s22+$0xE210];
	v10 =	vmul.f32 v10, v10  }
0x1b3: {  	v56 =	vld [tilespmem:s22+$0x16210];
	v14 =	vmul.f32 v14, v14;
	v57 =	vadd.f32 v4, v1;
	v1 =	vmul.f32 v8, v8  }
0x1b4: {  	v4 =	vsub.f32 v24, v25;
	v8 =	vld [tilespmem:s22+$0xE220];
	v58 =	vadd.f32 v10, v2;
	v2 =	vmul.f32 v55, v55  }
0x1b5: {  	v59 =	vsub.f32 v26, v27;
	v14 =	vadd.f32 v14, v3;
	v10 =	vld [tilespmem:s22+$0x16220]  }
0x1b6: {  	v60 =	vld [tilespmem:s22+$0xE230];
	v5 =	vadd.f32 v1, v5;
	v1 =	vmul.f32 v4, v4;
	v4 =	vadd.f32 v2, v0  }
0x1b7: {  	v61 =	vld [tilespmem:s22+$0x16230];
	v0 =	vsub.f32 v28, v29;
	v9 =	vsub.f32 v9, v15  }
0x1b8: {  	v15 =	vld [tilespmem:s22+$0x16240];
	v3 =	vadd.f32 v1, v11;
	v1 =	vmul.f32 v59, v59;
	v11 =	vsub.f32 v12, v13  }
0x1b9: {  	v13 =	vld [tilespmem:s22+$0xE240];
	v0 =	vmul.f32 v0, v0;
	v12 =	vsub.f32 v54, v56  }
0x1ba: {  	v8 =	vsub.f32 v8, v10;
	v10 =	vld [tilespmem:s22+$0xE250];
	v2 =	vadd.f32 v1, v7;
	v7 =	vmul.f32 v11, v11  }
0x1bb: {  	v1 =	vadd.f32 v0, v6;
	v6 =	vmul.f32 v9, v9;
	v11 =	vmul.f32 v12, v12;
	v12 =	vld [tilespmem:s22+$0x16250]  }
0x1bc: {  	v63 =	vsub.f32 v60, v61;
	v9 =	vld [tilespmem:s22+$0xE260];
	v62 =	vmul.f32 v8, v8;
	v0 =	vadd.f32 v7, v57  }
0x1bd: {  	s21 =	simm.s32 $0x80;
	v6 =	vadd.f32 v6, v58;
	v7 =	vadd.f32 v11, v14;
	v11 =	vld [tilespmem:s22+$0x16260]  }
0x1be: {  	v8 =	vld [tilespmem:s21+$0xE270];
	s22 =	simm.s32 $0x400;
	v14 =	vmul.f32 v63, v63;
	v5 =	vadd.f32 v62, v5;
	v13 =	vsub.f32 v13, v15  }
.LBB2_16:
0x1bf: {  	p0 =	sne.s32 s22, $0x7E00;
	v15 =	vld [tilespmem:s21+$0x16270]  }
0x1c0: {  	v16 =	vld [tilespmem:s21+$0xE200];
	v4 =	vadd.f32 v14, v4;
	v13 =	vmul.f32 v13, v13;
	v10 =	vsub.f32 v10, v12  }
0x1c1: {  	v12 =	vld [tilespmem:s21+$0x16200]  }
0x1c2: {  	v14 =	vld [tilespmem:s21+$0xE210];
	v3 =	vadd.f32 v13, v3;
	v10 =	vmul.f32 v10, v10;
	v9 =	vsub.f32 v9, v11  }
0x1c3: {  	v11 =	vld [tilespmem:s21+$0x16210]  }
0x1c4: {  	v13 =	vld [tilespmem:s21+$0xE220];
	v8 =	vsub.f32 v8, v15;
	v2 =	vadd.f32 v10, v2;
	v9 =	vmul.f32 v9, v9  }
0x1c5: {  	v10 =	vld [tilespmem:s21+$0x16220]  }
0x1c6: {  	v12 =	vsub.f32 v16, v12;
	v15 =	vld [tilespmem:s21+$0xE230];
	v8 =	vmul.f32 v8, v8;
	v1 =	vadd.f32 v9, v1  }
0x1c7: {  	v9 =	vld [tilespmem:s21+$0x16230]  }
0x1c8: {  	v12 =	vmul.f32 v12, v12;
	v11 =	vsub.f32 v14, v11;
	v16 =	vld [tilespmem:s21+$0xE240];
	v0 =	vadd.f32 v8, v0  }
0x1c9: {  	v17 =	vld [tilespmem:s21+$0x16240]  }
.Ltmp7:
0x1ca: {  	v6 =	vadd.f32 v12, v6;
	v8 =	vmul.f32 v11, v11;
	v11 =	vsub.f32 v13, v10;
	v10 =	vld [tilespmem:s21+$0xE250];
	(pc) =	sbr.rel @p0 .LBB2_16-.Ltmp7, $4  }
0x1cb: {  	v12 =	vld [tilespmem:s21+$0x16250]  }
0x1cc: {  	v7 =	vadd.f32 v8, v7;
	v13 =	vmul.f32 v11, v11;
	v14 =	vsub.f32 v15, v9;
	v9 =	vld [tilespmem:s21+$0xE260]  }
0x1cd: {  	v11 =	vld [tilespmem:s21+$0x16260];
	s21 =	sshra.s32 s22, $0x2  }
0x1ce: {  	s22 =	sadd.s32 $0x200, s22;
	v8 =	vld [tilespmem:s21+$0xE270];
	v5 =	vadd.f32 v13, v5;
	v14 =	vmul.f32 v14, v14;
	v13 =	vsub.f32 v16, v17  }
0x1cf: {  	v15 =	vld [tilespmem:s21+$0xE200]  }
0x1d0: {  	v16 =	vld [tilespmem:s21+$0x16200]  }
0x1d1: {  	v17 =	vld [tilespmem:s21+$0xE210]  }
0x1d2: {  	v18 =	vld [tilespmem:s21+$0x16210]  }
0x1d3: {  	v19 =	vld [tilespmem:s21+$0xE220]  }
0x1d4: {  	v20 =	vld [tilespmem:s21+$0x16220]  }
0x1d5: {  	v21 =	vld [tilespmem:s21+$0xE230]  }
0x1d6: {  	v22 =	vld [tilespmem:s21+$0x16230]  }
0x1d7: {  	v23 =	vld [tilespmem:s21+$0xE240]  }
0x1d8: {  	v44 =	vld [tilespmem:s21+$0x16240];
	v15 =	vsub.f32 v15, v16;
	v43 =	vsub.f32 v17, v18  }
0x1d9: {  	v49 =	vld [tilespmem:s21+$0xE250];
	v4 =	vadd.f32 v14, v4  }
0x1da: {  	v51 =	vld [tilespmem:s21+$0x16250];
	v48 =	vsub.f32 v19, v20;
	v46 =	vmul.f32 v15, v15;
	v47 =	vmul.f32 v43, v43  }
0x1db: {  	v53 =	vld [tilespmem:s21+$0xE260];
	v10 =	vsub.f32 v10, v12;
	v45 =	vmul.f32 v13, v13;
	v50 =	vsub.f32 v21, v22  }
0x1dc: {  	v55 =	vld [tilespmem:s21+$0x16260];
	v52 =	vmul.f32 v48, v48;
	v6 =	vadd.f32 v46, v6;
	v7 =	vadd.f32 v47, v7  }
0x1dd: {  	v3 =	vadd.f32 v45, v3;
	v54 =	vsub.f32 v23, v44  }
0x1de: {  	v56 =	vld [tilespmem:s21+$0x16270];
	v12 =	vmul.f32 v50, v50;
	v5 =	vadd.f32 v52, v5;
	v6 =	vadd.f32 v7, v6  }
0x1df: {  	v9 =	vsub.f32 v9, v11;
	v10 =	vmul.f32 v10, v10;
	v57 =	vsub.f32 v49, v51  }
0x1e0: {  	v11 =	vmul.f32 v54, v54;
	v4 =	vadd.f32 v12, v4;
	v5 =	vadd.f32 v5, v6  }
0x1e1: {  	v2 =	vadd.f32 v10, v2;
	v58 =	vmul.f32 v9, v9;
	v60 =	vsub.f32 v53, v55  }
0x1e2: {  	v59 =	vmul.f32 v57, v57;
	v3 =	vadd.f32 v11, v3;
	v4 =	vadd.f32 v4, v5  }
0x1e3: {  	v61 =	vsub.f32 v8, v56;
	v1 =	vadd.f32 v58, v1  }
0x1e4: {  	v62 =	vmul.f32 v60, v60;
	v2 =	vadd.f32 v59, v2;
	v3 =	vadd.f32 v3, v4;
	_ =	sdelay $0x1  }
0x1e5: {  	v63 =	vmul.f32 v61, v61;
	v1 =	vadd.f32 v62, v1;
	v2 =	vadd.f32 v2, v3;
	_ =	sdelay $0x1  }
0x1e6: {  	v0 =	vadd.f32 v63, v0;
	v1 =	vadd.f32 v1, v2;
	_ =	sdelay $0x1  }
0x1e7: {  	v0 =	vadd.f32 v0, v1;
	_ =	sdelay $0x1  }
0x1e8: {  	s20 =	sadd.s32 $0x1, s20;
	v0 =	vmul.f32 $5.000000000e-01, v0  }
0x1e9: {  	p0 =	sne.s32 s20, s14  }
.Ltmp8:
0x1ea: {  	[tilespmem:$0x18200] =	vst v0;
	(pc) =	sbr.rel @p0 .LBB2_1-.Ltmp8, $4  }
0x1eb: {  	[hbm4b:s13+s3] =	stream.linear.scatter [tilespmem:s19], [sflag:$0x3], $0x80, $0x38;
	[tilespmem:$0x18280] =	vst v63  }
0x1ec: {  	_ =	swait.ge [sflag:s23], $0x80  }
0x1ed: {  	[sflag:s23] =	ssyncset.done $0x0  }
0x1ee: {  	[sflag:s23] =	ssyncadd.s32 $0xFFFFFF80  }
0x1ef: {  	_ =	sfence.sel $0x180000  }
0x1f0: {  	[bflag:$0x0] =	sbarrier.arrive $0xFFFF  }
0x1f1: {  	_ =	strace $0x90000047  }
0x1f2: {  	s0 =	stileid.u32;
	[bflag:$0x2] =	sbarrier.arrive $0xFFFF  }
0x1f3: {  	p0 =	sne.s32 s0, $0x0;
	s0 =	rddreg [dreg:$0x4]  }
0x1f4: {  	s0 =	sadd.s32 @!p0 $0x100000, s0  }
0x1f5: {  	[sflag:s0] =	ssyncadd.tile.s32 @!p0 $0x1;
	_ =	shalt  }
.Lfunc_end2:
_tile_overlayer_lowered:
.L_overlay_start_2:
0x1f6: {  	(tag) =	ssettag $0x2  }
0x1f7: {  	s0 =	rddreg [dreg:$0x0];
	s2 =	stileid.u32  }
0x1f8: {  	s1 =	rddreg [dreg:$0x1];
	p0 =	sne.s32 s2, $0x0  }
0x1f9: {  	s3 =	rddreg [dreg:$0x2];
	[bflag:$0x3] =	sbarrier.arrive $0xFFFF;
	s2 =	simm.s32 @!p0 $0x1C03  }
0x1fa: {  	[timem:s3], [sflag:s2] =	dma.local @!p0 [hbm:s0], s1  }
0x1fb: {  	s0 =	simm.s32 @!p0 $0x3  }
0x1fc: {  	_ =	swait.ge @!p0 [sflag:s0], s1  }
0x1fd: {  	s1 =	ssub.s32 @!p0 $0x0, s1;
	[sflag:s0] =	ssyncset.done @!p0 $0x0  }
0x1fe: {  	[sflag:s0] =	ssyncadd.s32 @!p0 s1  }
0x1ff: {  	[bflag:$0x3] =	sbarrier.arrive $0xFFFF  }
0x200: {  	_ =	shalt  }

</sc_bundles>
